<compile_context>
chip_gen: v7x
topology: tpu7x:2x2x1
jax: 0.10.2.dev20260603
libtpu: 0.0.44.dev20260713+nightly
codegen_flags: <defaults>
</compile_context>

<pallas_src>
import functools

import jax
import jax.numpy as jnp
from jax import lax
from jax.experimental import pallas as pl
from jax.experimental.pallas import tpu as pltpu
from jax.experimental.pallas import tpu_sc as plsc

N = 10000
E = 320000
D = 128
H = 128
T = 12

NC = 2
NS = 16
NW = NC * NS
EPW = E // NW
K = 80
NCHUNK = EPW // K
RPT = N // NS
ZR = 125


def _make_segsum():
    mesh = plsc.VectorSubcoreMesh(core_axis_name="c", subcore_axis_name="s")

    @functools.partial(
        pl.kernel,
        out_type=jax.ShapeDtypeStruct((NC * N, H), jnp.float32),
        mesh=mesh,
        scratch_types=[
            pltpu.VMEM((NCHUNK, K), jnp.int32),
            pltpu.VMEM((NCHUNK, K), jnp.int32),
            pltpu.VMEM((K, H), jnp.float32),
            pltpu.VMEM((ZR, H), jnp.float32),
            pltpu.VMEM_SHARED((N, H), jnp.float32),
            pltpu.SemaphoreType.DMA,
        ],
        compiler_params=pltpu.CompilerParams(use_tc_tiling_on_sc=False),
    )
    def segsum(h_hbm, src_hbm, dst_hbm, out_hbm, src_v, dst_v, rows_v,
               zero_v, acc_sh, sem):
        c = lax.axis_index("c")
        s = lax.axis_index("s")
        wid = c * NS + s

        pltpu.sync_copy(src_hbm.at[pl.ds(wid * NCHUNK, NCHUNK)], src_v)
        pltpu.sync_copy(dst_hbm.at[pl.ds(wid * NCHUNK, NCHUNK)], dst_v)

        zero16 = jnp.zeros((16,), jnp.float32)

        def zbody(i, carry):
            for j in range(H // 16):
                zero_v[i, pl.ds(j * 16, 16)] = zero16
            return carry

        lax.fori_loop(0, ZR, zbody, 0)
        for k in range(RPT // ZR):
            pltpu.sync_copy(zero_v, acc_sh.at[pl.ds(s * RPT + k * ZR, ZR)])
        plsc.subcore_barrier()

        def ebody(i, carry):
            pltpu.async_copy(h_hbm.at[src_v.at[i]], rows_v, sem).wait()
            pltpu.sync_copy(rows_v, acc_sh.at[dst_v.at[i]], add=True)
            return carry

        lax.fori_loop(0, NCHUNK, ebody, 0)
        plsc.subcore_barrier()

        pltpu.sync_copy(acc_sh.at[pl.ds(s * RPT, RPT)],
                        out_hbm.at[pl.ds(c * N + s * RPT, RPT)])

    return segsum


_segsum = _make_segsum()


def _tc_layer_body(x_ref, parts_ref, deg_ref, ws_ref, wn_ref, b_ref, g_ref,
                   be_ref, out_ref):
    nrm = 1.0 / jnp.maximum(deg_ref[...].astype(jnp.float32), 1.0)
    agg = (parts_ref[:N, :] + parts_ref[N:, :]) * nrm
    h = (jnp.dot(x_ref[...], ws_ref[...], preferred_element_type=jnp.float32)
         + jnp.dot(agg, wn_ref[...], preferred_element_type=jnp.float32)
         + b_ref[...])
    m = jnp.mean(h, axis=0, keepdims=True)
    v = jnp.mean((h - m) ** 2, axis=0, keepdims=True)
    hn = (h - m) * lax.rsqrt(v + 1e-5) * g_ref[...] + be_ref[...]
    out_ref[...] = jnp.maximum(hn, 0.0)


def _tc_final_body(x_ref, parts_ref, deg_ref, ws_ref, wn_ref, b_ref, g_ref,
                   be_ref, wd_ref, bd_ref, out_ref):
    nrm = 1.0 / jnp.maximum(deg_ref[...].astype(jnp.float32), 1.0)
    agg = (parts_ref[:N, :] + parts_ref[N:, :]) * nrm
    h = (jnp.dot(x_ref[...], ws_ref[...], preferred_element_type=jnp.float32)
         + jnp.dot(agg, wn_ref[...], preferred_element_type=jnp.float32)
         + b_ref[...])
    m = jnp.mean(h, axis=0, keepdims=True)
    v = jnp.mean((h - m) ** 2, axis=0, keepdims=True)
    hn = (h - m) * lax.rsqrt(v + 1e-5) * g_ref[...] + be_ref[...]
    h2 = jnp.maximum(hn, 0.0)
    pooled = jnp.mean(h2, axis=0, keepdims=True)
    out_ref[...] = (jnp.dot(pooled, wd_ref[...],
                            preferred_element_type=jnp.float32) + bd_ref[...])


def _tc_layer(x, parts, deg, ws, wn, b, g, be):
    return pl.pallas_call(
        _tc_layer_body,
        out_shape=jax.ShapeDtypeStruct((N, H), jnp.float32),
    )(x, parts, deg, ws, wn, b.reshape(1, H), g.reshape(1, H),
      be.reshape(1, H))


def _tc_final(x, parts, deg, ws, wn, b, g, be, wd, bd):
    return pl.pallas_call(
        _tc_final_body,
        out_shape=jax.ShapeDtypeStruct((1, T), jnp.float32),
    )(x, parts, deg, ws, wn, b.reshape(1, H), g.reshape(1, H),
      be.reshape(1, H), wd, bd.reshape(1, T))


def kernel(x, adjacency_list, degree_list, W1s, W1n, b1, g1, be1, W2s, W2n,
           b2, g2, be2, Wd, bd):
    src = adjacency_list[0].reshape(E // K, K)
    dst = adjacency_list[1].reshape(E // K, K)
    deg = degree_list.reshape(N, 1)

    parts1 = _segsum(x, src, dst)
    h1 = _tc_layer(x, parts1, deg, W1s, W1n, b1, g1, be1)
    parts2 = _segsum(h1, src, dst)
    out = _tc_final(h1, parts2, deg, W2s, W2n, b2, g2, be2, Wd, bd)
    return out.reshape(T)

# --- scband reference (transcript-rebuilt; emitter-appended) ---
"""Pipeline reference for scband-graph-conv-net-30966714204196 (READ-ONLY COPY).

The authoritative reference and input builder live on the scoring server;
editing this copy changes nothing except your own understanding.
"""

import jax, jax.numpy as jnp
import numpy as np

N = 10000
E = 320000
D = 128
H = 128
T = 12


def setup_inputs(seed: int = 0) -> dict:
    key = jax.random.key(seed)
    ks = jax.random.split(key, 16)
    x = jax.random.normal(ks[0], (N, D), dtype=jnp.float32)
    adjacency_list = jax.random.randint(ks[1], (2, E), 0, N, dtype=jnp.int32)
    degree_list = jax.random.randint(ks[2], (N,), 0, 64, dtype=jnp.int32)
    s1 = 1.0 / np.sqrt(D)
    s2 = 1.0 / np.sqrt(H)
    W1s = jax.random.uniform(ks[3], (D, H), jnp.float32, -s1, s1)
    W1n = jax.random.uniform(ks[4], (D, H), jnp.float32, -s1, s1)
    b1 = jnp.zeros((H,), jnp.float32)
    g1 = jnp.ones((H,), jnp.float32)
    be1 = jnp.zeros((H,), jnp.float32)
    W2s = jax.random.uniform(ks[5], (H, H), jnp.float32, -s2, s2)
    W2n = jax.random.uniform(ks[6], (H, H), jnp.float32, -s2, s2)
    b2 = jnp.zeros((H,), jnp.float32)
    g2 = jnp.ones((H,), jnp.float32)
    be2 = jnp.zeros((H,), jnp.float32)
    Wd = jax.random.uniform(ks[7], (H, T), jnp.float32, -s2, s2)
    bd = jnp.zeros((T,), jnp.float32)
    return {"x": x, "adjacency_list": adjacency_list, "degree_list": degree_list,
            "W1s": W1s, "W1n": W1n, "b1": b1, "g1": g1, "be1": be1,
            "W2s": W2s, "W2n": W2n, "b2": b2, "g2": g2, "be2": be2,
            "Wd": Wd, "bd": bd}


def _batch_norm(h, gamma, beta, eps=1e-5):
    m = jnp.mean(h, axis=0)
    v = jnp.var(h, axis=0)
    return (h - m) / jnp.sqrt(v + eps) * gamma + beta


def _graph_conv(h, src, dst, deg, Ws, Wn, b):
    # gather neighbor features along edges, scatter-add into destination nodes
    msgs = jnp.take(h, src, axis=0)
    agg = jax.ops.segment_sum(msgs, dst, num_segments=N)
    norm = 1.0 / jnp.maximum(deg, 1).astype(h.dtype)
    agg = agg * norm[:, None]
    return h @ Ws + agg @ Wn + b


def reference(x, adjacency_list, degree_list, W1s, W1n, b1, g1, be1, W2s, W2n, b2, g2, be2, Wd, bd):
    src = adjacency_list[0]
    dst = adjacency_list[1]
    h = _graph_conv(x, src, dst, degree_list, W1s, W1n, b1)
    h = jax.nn.relu(_batch_norm(h, g1, be1))
    h = _graph_conv(h, src, dst, degree_list, W2s, W2n, b2)
    h = jax.nn.relu(_batch_norm(h, g2, be2))
    # dropout is identity in eval mode
    pooled = jnp.mean(h, axis=0)  # global mean pool over nodes
    return pooled @ Wd + bd

if __name__ == "__main__":
    import jax
    _d = setup_inputs()
    print(jax.jit(kernel)(*tuple(_d.values())))

</pallas_src>

<mosaic_0001>
#map = affine_map<(d0, d1) -> (0, 0)>
module attributes {stable_mosaic.version = 14 : i64} {
  func.func @segsum(%arg0: i32, %arg1: i32, %arg2: memref<10000x128xf32, #tpu.memory_space<hbm>>, %arg3: memref<4000x80xi32, #tpu.memory_space<hbm>>, %arg4: memref<4000x80xi32, #tpu.memory_space<hbm>>, %arg5: memref<20000x128xf32, #tpu.memory_space<hbm>>, %arg6: memref<125x80xi32, #tpu.memory_space<vmem>>, %arg7: memref<125x80xi32, #tpu.memory_space<vmem>>, %arg8: memref<80x128xf32, #tpu.memory_space<vmem>>, %arg9: memref<125x128xf32, #tpu.memory_space<vmem>>, %arg10: memref<10000x128xf32, #tpu.memory_space<vmem_shared>>, %arg11: memref<!tpu.dma_semaphore, #tpu.memory_space<semaphore_mem>>) attributes {dimension_semantics = [#tpu.dimension_semantics<core_parallel>, #tpu.dimension_semantics<subcore_parallel>], iteration_bounds = array<i64: 2, 16>, scalar_prefetch = 0 : i64, scratch_operands = 6 : i64, tpu.core_type = #tpu.core_type<sc_vector_subcore>, window_params = [{transform_indices = #map}, {transform_indices = #map}, {transform_indices = #map}, {transform_indices = #map}]} {
    %mul3A = arith.constant 16 : i32
    %mul3A_0 = arith.muli %arg0, %mul3A : i32
    %add3A = arith.addi %mul3A_0, %arg1 : i32
    %mul3A_1 = arith.constant 125 : i32
    %mul3A_2 = arith.muli %add3A, %mul3A_1 : i32
    "tpu.region"() ({
      %run_scoped3A = tpu.sem_alloc : memref<!tpu.dma_semaphore, #tpu.memory_space<semaphore_mem>>
      %dma_start3A = arith.constant 0 : i32
      %dma_start3A_45 = tpu.memref_slice %arg3[%mul3A_2, %dma_start3A] : memref<4000x80xi32, #tpu.memory_space<hbm>> -> memref<125x80xi32, #tpu.memory_space<hbm>>
      %dma_start3A_46 = arith.constant 0 : i32
      %dma_start3A_47 = tpu.memref_slice %arg3[%mul3A_2, %dma_start3A_46] : memref<4000x80xi32, #tpu.memory_space<hbm>> -> memref<125x80xi32, #tpu.memory_space<hbm>>
      tpu.enqueue_dma source(%dma_start3A_47 : memref<125x80xi32, #tpu.memory_space<hbm>>) target(%arg6 : memref<125x80xi32, #tpu.memory_space<vmem>>) target_semaphore(%run_scoped3A : memref<!tpu.dma_semaphore, #tpu.memory_space<semaphore_mem>>)
      %dma_wait3A = arith.constant 0 : i32
      %dma_wait3A_48 = tpu.memref_slice %arg3[%mul3A_2, %dma_wait3A] : memref<4000x80xi32, #tpu.memory_space<hbm>> -> memref<125x80xi32, #tpu.memory_space<hbm>>
      %dma_wait3A_49 = arith.constant 0 : i32
      %dma_wait3A_50 = tpu.memref_slice %arg3[%mul3A_2, %dma_wait3A_49] : memref<4000x80xi32, #tpu.memory_space<hbm>> -> memref<125x80xi32, #tpu.memory_space<hbm>>
      tpu.wait_dma2 semaphore(%run_scoped3A : memref<!tpu.dma_semaphore, #tpu.memory_space<semaphore_mem>>) src(%dma_wait3A_50 : memref<125x80xi32, #tpu.memory_space<hbm>>) dst(%arg6 : memref<125x80xi32, #tpu.memory_space<vmem>>)
      tpu.yield
    }) : () -> ()
    %mul3A_3 = arith.constant 125 : i32
    %mul3A_4 = arith.muli %add3A, %mul3A_3 : i32
    "tpu.region"() ({
      %run_scoped3A = tpu.sem_alloc : memref<!tpu.dma_semaphore, #tpu.memory_space<semaphore_mem>>
      %dma_start3A = arith.constant 0 : i32
      %dma_start3A_45 = tpu.memref_slice %arg4[%mul3A_4, %dma_start3A] : memref<4000x80xi32, #tpu.memory_space<hbm>> -> memref<125x80xi32, #tpu.memory_space<hbm>>
      %dma_start3A_46 = arith.constant 0 : i32
      %dma_start3A_47 = tpu.memref_slice %arg4[%mul3A_4, %dma_start3A_46] : memref<4000x80xi32, #tpu.memory_space<hbm>> -> memref<125x80xi32, #tpu.memory_space<hbm>>
      tpu.enqueue_dma source(%dma_start3A_47 : memref<125x80xi32, #tpu.memory_space<hbm>>) target(%arg7 : memref<125x80xi32, #tpu.memory_space<vmem>>) target_semaphore(%run_scoped3A : memref<!tpu.dma_semaphore, #tpu.memory_space<semaphore_mem>>)
      %dma_wait3A = arith.constant 0 : i32
      %dma_wait3A_48 = tpu.memref_slice %arg4[%mul3A_4, %dma_wait3A] : memref<4000x80xi32, #tpu.memory_space<hbm>> -> memref<125x80xi32, #tpu.memory_space<hbm>>
      %dma_wait3A_49 = arith.constant 0 : i32
      %dma_wait3A_50 = tpu.memref_slice %arg4[%mul3A_4, %dma_wait3A_49] : memref<4000x80xi32, #tpu.memory_space<hbm>> -> memref<125x80xi32, #tpu.memory_space<hbm>>
      tpu.wait_dma2 semaphore(%run_scoped3A : memref<!tpu.dma_semaphore, #tpu.memory_space<semaphore_mem>>) src(%dma_wait3A_50 : memref<125x80xi32, #tpu.memory_space<hbm>>) dst(%arg7 : memref<125x80xi32, #tpu.memory_space<vmem>>)
      tpu.yield
    }) : () -> ()
    %broadcast_in_dim3A = arith.constant 0.000000e+00 : f32
    %broadcast_in_dim3A_5 = vector.broadcast %broadcast_in_dim3A : f32 to vector<16xf32>
    %scan3A = arith.constant 0 : i32
    %scan3A_6 = arith.constant 0 : i32
    %scan3A_7 = arith.constant 125 : i32
    %scan3A_8 = arith.addi %scan3A_6, %scan3A_7 : i32
    %scan3A_9 = arith.constant 1 : i32
    scf.for %scan3A_45 = %scan3A_6 to %scan3A_8 step %scan3A_9  : i32 {
      %swap3A = arith.index_cast %scan3A_45 : i32 to index
      %swap3A_46 = arith.constant 0 : index
      %swap3A_47 = tpu.vector_load %arg9[%swap3A, %swap3A_46] {strides = array<i32>} : memref<125x128xf32, #tpu.memory_space<vmem>>, vector<1x16xf32>,
      %swap3A_48 = vector.shape_cast %swap3A_47 : vector<1x16xf32> to vector<16xf32>
      %swap3A_49 = vector.shape_cast %broadcast_in_dim3A_5 : vector<16xf32> to vector<1x16xf32>
      tpu.vector_store %arg9[%swap3A, %swap3A_46], %swap3A_49 {strides = array<i32>} : memref<125x128xf32, #tpu.memory_space<vmem>>, vector<1x16xf32>,
      %swap3A_50 = arith.index_cast %scan3A_45 : i32 to index
      %swap3A_51 = arith.constant 16 : index
      %swap3A_52 = tpu.vector_load %arg9[%swap3A_50, %swap3A_51] {strides = array<i32>} : memref<125x128xf32, #tpu.memory_space<vmem>>, vector<1x16xf32>,
      %swap3A_53 = vector.shape_cast %swap3A_52 : vector<1x16xf32> to vector<16xf32>
      %swap3A_54 = vector.shape_cast %broadcast_in_dim3A_5 : vector<16xf32> to vector<1x16xf32>
      tpu.vector_store %arg9[%swap3A_50, %swap3A_51], %swap3A_54 {strides = array<i32>} : memref<125x128xf32, #tpu.memory_space<vmem>>, vector<1x16xf32>,
      %swap3A_55 = arith.index_cast %scan3A_45 : i32 to index
      %swap3A_56 = arith.constant 32 : index
      %swap3A_57 = tpu.vector_load %arg9[%swap3A_55, %swap3A_56] {strides = array<i32>} : memref<125x128xf32, #tpu.memory_space<vmem>>, vector<1x16xf32>,
      %swap3A_58 = vector.shape_cast %swap3A_57 : vector<1x16xf32> to vector<16xf32>
      %swap3A_59 = vector.shape_cast %broadcast_in_dim3A_5 : vector<16xf32> to vector<1x16xf32>
      tpu.vector_store %arg9[%swap3A_55, %swap3A_56], %swap3A_59 {strides = array<i32>} : memref<125x128xf32, #tpu.memory_space<vmem>>, vector<1x16xf32>,
      %swap3A_60 = arith.index_cast %scan3A_45 : i32 to index
      %swap3A_61 = arith.constant 48 : index
      %swap3A_62 = tpu.vector_load %arg9[%swap3A_60, %swap3A_61] {strides = array<i32>} : memref<125x128xf32, #tpu.memory_space<vmem>>, vector<1x16xf32>,
      %swap3A_63 = vector.shape_cast %swap3A_62 : vector<1x16xf32> to vector<16xf32>
      %swap3A_64 = vector.shape_cast %broadcast_in_dim3A_5 : vector<16xf32> to vector<1x16xf32>
      tpu.vector_store %arg9[%swap3A_60, %swap3A_61], %swap3A_64 {strides = array<i32>} : memref<125x128xf32, #tpu.memory_space<vmem>>, vector<1x16xf32>,
      %swap3A_65 = arith.index_cast %scan3A_45 : i32 to index
      %swap3A_66 = arith.constant 64 : index
      %swap3A_67 = tpu.vector_load %arg9[%swap3A_65, %swap3A_66] {strides = array<i32>} : memref<125x128xf32, #tpu.memory_space<vmem>>, vector<1x16xf32>,
      %swap3A_68 = vector.shape_cast %swap3A_67 : vector<1x16xf32> to vector<16xf32>
      %swap3A_69 = vector.shape_cast %broadcast_in_dim3A_5 : vector<16xf32> to vector<1x16xf32>
      tpu.vector_store %arg9[%swap3A_65, %swap3A_66], %swap3A_69 {strides = array<i32>} : memref<125x128xf32, #tpu.memory_space<vmem>>, vector<1x16xf32>,
      %swap3A_70 = arith.index_cast %scan3A_45 : i32 to index
      %swap3A_71 = arith.constant 80 : index
      %swap3A_72 = tpu.vector_load %arg9[%swap3A_70, %swap3A_71] {strides = array<i32>} : memref<125x128xf32, #tpu.memory_space<vmem>>, vector<1x16xf32>,
      %swap3A_73 = vector.shape_cast %swap3A_72 : vector<1x16xf32> to vector<16xf32>
      %swap3A_74 = vector.shape_cast %broadcast_in_dim3A_5 : vector<16xf32> to vector<1x16xf32>
      tpu.vector_store %arg9[%swap3A_70, %swap3A_71], %swap3A_74 {strides = array<i32>} : memref<125x128xf32, #tpu.memory_space<vmem>>, vector<1x16xf32>,
      %swap3A_75 = arith.index_cast %scan3A_45 : i32 to index
      %swap3A_76 = arith.constant 96 : index
      %swap3A_77 = tpu.vector_load %arg9[%swap3A_75, %swap3A_76] {strides = array<i32>} : memref<125x128xf32, #tpu.memory_space<vmem>>, vector<1x16xf32>,
      %swap3A_78 = vector.shape_cast %swap3A_77 : vector<1x16xf32> to vector<16xf32>
      %swap3A_79 = vector.shape_cast %broadcast_in_dim3A_5 : vector<16xf32> to vector<1x16xf32>
      tpu.vector_store %arg9[%swap3A_75, %swap3A_76], %swap3A_79 {strides = array<i32>} : memref<125x128xf32, #tpu.memory_space<vmem>>, vector<1x16xf32>,
      %swap3A_80 = arith.index_cast %scan3A_45 : i32 to index
      %swap3A_81 = arith.constant 112 : index
      %swap3A_82 = tpu.vector_load %arg9[%swap3A_80, %swap3A_81] {strides = array<i32>} : memref<125x128xf32, #tpu.memory_space<vmem>>, vector<1x16xf32>,
      %swap3A_83 = vector.shape_cast %swap3A_82 : vector<1x16xf32> to vector<16xf32>
      %swap3A_84 = vector.shape_cast %broadcast_in_dim3A_5 : vector<16xf32> to vector<1x16xf32>
      tpu.vector_store %arg9[%swap3A_80, %swap3A_81], %swap3A_84 {strides = array<i32>} : memref<125x128xf32, #tpu.memory_space<vmem>>, vector<1x16xf32>,
    }
    %scan3A_10 = arith.constant 125 : i32
    %mul3A_11 = arith.constant 625 : i32
    %mul3A_12 = arith.muli %arg1, %mul3A_11 : i32
    %add3A_13 = arith.constant 0 : i32
    %add3A_14 = arith.addi %mul3A_12, %add3A_13 : i32
    "tpu.region"() ({
      %run_scoped3A = tpu.sem_alloc : memref<!tpu.dma_semaphore, #tpu.memory_space<semaphore_mem>>
      %dma_start3A = arith.constant 0 : i32
      %dma_start3A_45 = tpu.memref_slice %arg10[%add3A_14, %dma_start3A] : memref<10000x128xf32, #tpu.memory_space<vmem_shared>> -> memref<125x128xf32, #tpu.memory_space<vmem_shared>>
      %dma_start3A_46 = arith.constant 0 : i32
      %dma_start3A_47 = tpu.memref_slice %arg10[%add3A_14, %dma_start3A_46] : memref<10000x128xf32, #tpu.memory_space<vmem_shared>> -> memref<125x128xf32, #tpu.memory_space<vmem_shared>>
      tpu.enqueue_dma source(%arg9 : memref<125x128xf32, #tpu.memory_space<vmem>>) target(%dma_start3A_47 : memref<125x128xf32, #tpu.memory_space<vmem_shared>>) target_semaphore(%run_scoped3A : memref<!tpu.dma_semaphore, #tpu.memory_space<semaphore_mem>>)
      %dma_wait3A = arith.constant 0 : i32
      %dma_wait3A_48 = tpu.memref_slice %arg10[%add3A_14, %dma_wait3A] : memref<10000x128xf32, #tpu.memory_space<vmem_shared>> -> memref<125x128xf32, #tpu.memory_space<vmem_shared>>
      %dma_wait3A_49 = arith.constant 0 : i32
      %dma_wait3A_50 = tpu.memref_slice %arg10[%add3A_14, %dma_wait3A_49] : memref<10000x128xf32, #tpu.memory_space<vmem_shared>> -> memref<125x128xf32, #tpu.memory_space<vmem_shared>>
      tpu.wait_dma2 semaphore(%run_scoped3A : memref<!tpu.dma_semaphore, #tpu.memory_space<semaphore_mem>>) src(%arg9 : memref<125x128xf32, #tpu.memory_space<vmem>>) dst(%dma_wait3A_50 : memref<125x128xf32, #tpu.memory_space<vmem_shared>>)
      tpu.yield
    }) : () -> ()
    %mul3A_15 = arith.constant 625 : i32
    %mul3A_16 = arith.muli %arg1, %mul3A_15 : i32
    %add3A_17 = arith.constant 125 : i32
    %add3A_18 = arith.addi %mul3A_16, %add3A_17 : i32
    "tpu.region"() ({
      %run_scoped3A = tpu.sem_alloc : memref<!tpu.dma_semaphore, #tpu.memory_space<semaphore_mem>>
      %dma_start3A = arith.constant 0 : i32
      %dma_start3A_45 = tpu.memref_slice %arg10[%add3A_18, %dma_start3A] : memref<10000x128xf32, #tpu.memory_space<vmem_shared>> -> memref<125x128xf32, #tpu.memory_space<vmem_shared>>
      %dma_start3A_46 = arith.constant 0 : i32
      %dma_start3A_47 = tpu.memref_slice %arg10[%add3A_18, %dma_start3A_46] : memref<10000x128xf32, #tpu.memory_space<vmem_shared>> -> memref<125x128xf32, #tpu.memory_space<vmem_shared>>
      tpu.enqueue_dma source(%arg9 : memref<125x128xf32, #tpu.memory_space<vmem>>) target(%dma_start3A_47 : memref<125x128xf32, #tpu.memory_space<vmem_shared>>) target_semaphore(%run_scoped3A : memref<!tpu.dma_semaphore, #tpu.memory_space<semaphore_mem>>)
      %dma_wait3A = arith.constant 0 : i32
      %dma_wait3A_48 = tpu.memref_slice %arg10[%add3A_18, %dma_wait3A] : memref<10000x128xf32, #tpu.memory_space<vmem_shared>> -> memref<125x128xf32, #tpu.memory_space<vmem_shared>>
      %dma_wait3A_49 = arith.constant 0 : i32
      %dma_wait3A_50 = tpu.memref_slice %arg10[%add3A_18, %dma_wait3A_49] : memref<10000x128xf32, #tpu.memory_space<vmem_shared>> -> memref<125x128xf32, #tpu.memory_space<vmem_shared>>
      tpu.wait_dma2 semaphore(%run_scoped3A : memref<!tpu.dma_semaphore, #tpu.memory_space<semaphore_mem>>) src(%arg9 : memref<125x128xf32, #tpu.memory_space<vmem>>) dst(%dma_wait3A_50 : memref<125x128xf32, #tpu.memory_space<vmem_shared>>)
      tpu.yield
    }) : () -> ()
    %mul3A_19 = arith.constant 625 : i32
    %mul3A_20 = arith.muli %arg1, %mul3A_19 : i32
    %add3A_21 = arith.constant 250 : i32
    %add3A_22 = arith.addi %mul3A_20, %add3A_21 : i32
    "tpu.region"() ({
      %run_scoped3A = tpu.sem_alloc : memref<!tpu.dma_semaphore, #tpu.memory_space<semaphore_mem>>
      %dma_start3A = arith.constant 0 : i32
      %dma_start3A_45 = tpu.memref_slice %arg10[%add3A_22, %dma_start3A] : memref<10000x128xf32, #tpu.memory_space<vmem_shared>> -> memref<125x128xf32, #tpu.memory_space<vmem_shared>>
      %dma_start3A_46 = arith.constant 0 : i32
      %dma_start3A_47 = tpu.memref_slice %arg10[%add3A_22, %dma_start3A_46] : memref<10000x128xf32, #tpu.memory_space<vmem_shared>> -> memref<125x128xf32, #tpu.memory_space<vmem_shared>>
      tpu.enqueue_dma source(%arg9 : memref<125x128xf32, #tpu.memory_space<vmem>>) target(%dma_start3A_47 : memref<125x128xf32, #tpu.memory_space<vmem_shared>>) target_semaphore(%run_scoped3A : memref<!tpu.dma_semaphore, #tpu.memory_space<semaphore_mem>>)
      %dma_wait3A = arith.constant 0 : i32
      %dma_wait3A_48 = tpu.memref_slice %arg10[%add3A_22, %dma_wait3A] : memref<10000x128xf32, #tpu.memory_space<vmem_shared>> -> memref<125x128xf32, #tpu.memory_space<vmem_shared>>
      %dma_wait3A_49 = arith.constant 0 : i32
      %dma_wait3A_50 = tpu.memref_slice %arg10[%add3A_22, %dma_wait3A_49] : memref<10000x128xf32, #tpu.memory_space<vmem_shared>> -> memref<125x128xf32, #tpu.memory_space<vmem_shared>>
      tpu.wait_dma2 semaphore(%run_scoped3A : memref<!tpu.dma_semaphore, #tpu.memory_space<semaphore_mem>>) src(%arg9 : memref<125x128xf32, #tpu.memory_space<vmem>>) dst(%dma_wait3A_50 : memref<125x128xf32, #tpu.memory_space<vmem_shared>>)
      tpu.yield
    }) : () -> ()
    %mul3A_23 = arith.constant 625 : i32
    %mul3A_24 = arith.muli %arg1, %mul3A_23 : i32
    %add3A_25 = arith.constant 375 : i32
    %add3A_26 = arith.addi %mul3A_24, %add3A_25 : i32
    "tpu.region"() ({
      %run_scoped3A = tpu.sem_alloc : memref<!tpu.dma_semaphore, #tpu.memory_space<semaphore_mem>>
      %dma_start3A = arith.constant 0 : i32
      %dma_start3A_45 = tpu.memref_slice %arg10[%add3A_26, %dma_start3A] : memref<10000x128xf32, #tpu.memory_space<vmem_shared>> -> memref<125x128xf32, #tpu.memory_space<vmem_shared>>
      %dma_start3A_46 = arith.constant 0 : i32
      %dma_start3A_47 = tpu.memref_slice %arg10[%add3A_26, %dma_start3A_46] : memref<10000x128xf32, #tpu.memory_space<vmem_shared>> -> memref<125x128xf32, #tpu.memory_space<vmem_shared>>
      tpu.enqueue_dma source(%arg9 : memref<125x128xf32, #tpu.memory_space<vmem>>) target(%dma_start3A_47 : memref<125x128xf32, #tpu.memory_space<vmem_shared>>) target_semaphore(%run_scoped3A : memref<!tpu.dma_semaphore, #tpu.memory_space<semaphore_mem>>)
      %dma_wait3A = arith.constant 0 : i32
      %dma_wait3A_48 = tpu.memref_slice %arg10[%add3A_26, %dma_wait3A] : memref<10000x128xf32, #tpu.memory_space<vmem_shared>> -> memref<125x128xf32, #tpu.memory_space<vmem_shared>>
      %dma_wait3A_49 = arith.constant 0 : i32
      %dma_wait3A_50 = tpu.memref_slice %arg10[%add3A_26, %dma_wait3A_49] : memref<10000x128xf32, #tpu.memory_space<vmem_shared>> -> memref<125x128xf32, #tpu.memory_space<vmem_shared>>
      tpu.wait_dma2 semaphore(%run_scoped3A : memref<!tpu.dma_semaphore, #tpu.memory_space<semaphore_mem>>) src(%arg9 : memref<125x128xf32, #tpu.memory_space<vmem>>) dst(%dma_wait3A_50 : memref<125x128xf32, #tpu.memory_space<vmem_shared>>)
      tpu.yield
    }) : () -> ()
    %mul3A_27 = arith.constant 625 : i32
    %mul3A_28 = arith.muli %arg1, %mul3A_27 : i32
    %add3A_29 = arith.constant 500 : i32
    %add3A_30 = arith.addi %mul3A_28, %add3A_29 : i32
    "tpu.region"() ({
      %run_scoped3A = tpu.sem_alloc : memref<!tpu.dma_semaphore, #tpu.memory_space<semaphore_mem>>
      %dma_start3A = arith.constant 0 : i32
      %dma_start3A_45 = tpu.memref_slice %arg10[%add3A_30, %dma_start3A] : memref<10000x128xf32, #tpu.memory_space<vmem_shared>> -> memref<125x128xf32, #tpu.memory_space<vmem_shared>>
      %dma_start3A_46 = arith.constant 0 : i32
      %dma_start3A_47 = tpu.memref_slice %arg10[%add3A_30, %dma_start3A_46] : memref<10000x128xf32, #tpu.memory_space<vmem_shared>> -> memref<125x128xf32, #tpu.memory_space<vmem_shared>>
      tpu.enqueue_dma source(%arg9 : memref<125x128xf32, #tpu.memory_space<vmem>>) target(%dma_start3A_47 : memref<125x128xf32, #tpu.memory_space<vmem_shared>>) target_semaphore(%run_scoped3A : memref<!tpu.dma_semaphore, #tpu.memory_space<semaphore_mem>>)
      %dma_wait3A = arith.constant 0 : i32
      %dma_wait3A_48 = tpu.memref_slice %arg10[%add3A_30, %dma_wait3A] : memref<10000x128xf32, #tpu.memory_space<vmem_shared>> -> memref<125x128xf32, #tpu.memory_space<vmem_shared>>
      %dma_wait3A_49 = arith.constant 0 : i32
      %dma_wait3A_50 = tpu.memref_slice %arg10[%add3A_30, %dma_wait3A_49] : memref<10000x128xf32, #tpu.memory_space<vmem_shared>> -> memref<125x128xf32, #tpu.memory_space<vmem_shared>>
      tpu.wait_dma2 semaphore(%run_scoped3A : memref<!tpu.dma_semaphore, #tpu.memory_space<semaphore_mem>>) src(%arg9 : memref<125x128xf32, #tpu.memory_space<vmem>>) dst(%dma_wait3A_50 : memref<125x128xf32, #tpu.memory_space<vmem_shared>>)
      tpu.yield
    }) : () -> ()
    %barrier3A = arith.constant 0 : index
    tpu.barrier barrier_id(%barrier3A)
    %scan3A_31 = arith.constant 0 : i32
    %scan3A_32 = arith.constant 0 : i32
    %scan3A_33 = arith.constant 125 : i32
    %scan3A_34 = arith.addi %scan3A_32, %scan3A_33 : i32
    %scan3A_35 = arith.constant 1 : i32
    scf.for %scan3A_45 = %scan3A_32 to %scan3A_34 step %scan3A_35  : i32 {
      %dma_start3A = arith.constant 0 : i32
      %dma_start3A_46 = tpu.memref_slice %arg6[%scan3A_45, %dma_start3A] : memref<125x80xi32, #tpu.memory_space<vmem>> -> memref<1x80xi32, #tpu.memory_space<vmem>>
      %dma_start3A_47 = tpu.memref_squeeze %dma_start3A_46 : memref<1x80xi32, #tpu.memory_space<vmem>> -> memref<80xi32, #tpu.memory_space<vmem>>
      %dma_start3A_48 = arith.constant 0 : i32
      %dma_start3A_49 = arith.constant 0 : i32
      %dma_start3A_50 = tpu.memref_slice %arg2[%dma_start3A_48, %dma_start3A_49] : memref<10000x128xf32, #tpu.memory_space<hbm>> -> memref<10000x128xf32, #tpu.memory_space<hbm>>
      tpu.enqueue_indirect_dma source(%dma_start3A_50 : memref<10000x128xf32, #tpu.memory_space<hbm>>) target(%arg8 : memref<80x128xf32, #tpu.memory_space<vmem>>) offsets(%dma_start3A_47 : memref<80xi32, #tpu.memory_space<vmem>>) semaphore(%arg11 : memref<!tpu.dma_semaphore, #tpu.memory_space<semaphore_mem>>)
      %dma_wait3A = arith.constant 0 : i32
      %dma_wait3A_51 = tpu.memref_slice %arg6[%scan3A_45, %dma_wait3A] : memref<125x80xi32, #tpu.memory_space<vmem>> -> memref<1x80xi32, #tpu.memory_space<vmem>>
      %dma_wait3A_52 = tpu.memref_squeeze %dma_wait3A_51 : memref<1x80xi32, #tpu.memory_space<vmem>> -> memref<80xi32, #tpu.memory_space<vmem>>
      %dma_wait3A_53 = arith.constant 0 : i32
      %dma_wait3A_54 = arith.constant 0 : i32
      %dma_wait3A_55 = tpu.memref_slice %arg2[%dma_wait3A_53, %dma_wait3A_54] : memref<10000x128xf32, #tpu.memory_space<hbm>> -> memref<10000x128xf32, #tpu.memory_space<hbm>>
      tpu.wait_indirect_dma semaphore(%arg11 : memref<!tpu.dma_semaphore, #tpu.memory_space<semaphore_mem>>) src(%dma_wait3A_55 : memref<10000x128xf32, #tpu.memory_space<hbm>>) dst(%arg8 : memref<80x128xf32, #tpu.memory_space<vmem>>)
      "tpu.region"() ({
        %run_scoped3A = tpu.sem_alloc : memref<!tpu.dma_semaphore, #tpu.memory_space<semaphore_mem>>
        %dma_start3A_56 = arith.constant 0 : i32
        %dma_start3A_57 = tpu.memref_slice %arg7[%scan3A_45, %dma_start3A_56] : memref<125x80xi32, #tpu.memory_space<vmem>> -> memref<1x80xi32, #tpu.memory_space<vmem>>
        %dma_start3A_58 = tpu.memref_squeeze %dma_start3A_57 : memref<1x80xi32, #tpu.memory_space<vmem>> -> memref<80xi32, #tpu.memory_space<vmem>>
        %dma_start3A_59 = arith.constant 0 : i32
        %dma_start3A_60 = arith.constant 0 : i32
        %dma_start3A_61 = tpu.memref_slice %arg10[%dma_start3A_59, %dma_start3A_60] : memref<10000x128xf32, #tpu.memory_space<vmem_shared>> -> memref<10000x128xf32, #tpu.memory_space<vmem_shared>>
        tpu.enqueue_indirect_dma source(%arg8 : memref<80x128xf32, #tpu.memory_space<vmem>>) target(%dma_start3A_61 : memref<10000x128xf32, #tpu.memory_space<vmem_shared>>) offsets(%dma_start3A_58 : memref<80xi32, #tpu.memory_space<vmem>>) semaphore(%run_scoped3A : memref<!tpu.dma_semaphore, #tpu.memory_space<semaphore_mem>>) {add = true}
        %dma_wait3A_62 = arith.constant 0 : i32
        %dma_wait3A_63 = tpu.memref_slice %arg7[%scan3A_45, %dma_wait3A_62] : memref<125x80xi32, #tpu.memory_space<vmem>> -> memref<1x80xi32, #tpu.memory_space<vmem>>
        %dma_wait3A_64 = tpu.memref_squeeze %dma_wait3A_63 : memref<1x80xi32, #tpu.memory_space<vmem>> -> memref<80xi32, #tpu.memory_space<vmem>>
        %dma_wait3A_65 = arith.constant 0 : i32
        %dma_wait3A_66 = arith.constant 0 : i32
        %dma_wait3A_67 = tpu.memref_slice %arg10[%dma_wait3A_65, %dma_wait3A_66] : memref<10000x128xf32, #tpu.memory_space<vmem_shared>> -> memref<10000x128xf32, #tpu.memory_space<vmem_shared>>
        tpu.wait_indirect_dma semaphore(%run_scoped3A : memref<!tpu.dma_semaphore, #tpu.memory_space<semaphore_mem>>) src(%arg8 : memref<80x128xf32, #tpu.memory_space<vmem>>) dst(%dma_wait3A_67 : memref<10000x128xf32, #tpu.memory_space<vmem_shared>>)
        tpu.yield
      }) : () -> ()
    }
    %scan3A_36 = arith.constant 125 : i32
    %barrier3A_37 = arith.constant 0 : index
    tpu.barrier barrier_id(%barrier3A_37)
    %mul3A_38 = arith.constant 625 : i32
    %mul3A_39 = arith.muli %arg1, %mul3A_38 : i32
    %mul3A_40 = arith.constant 10000 : i32
    %mul3A_41 = arith.muli %arg0, %mul3A_40 : i32
    %mul3A_42 = arith.constant 625 : i32
    %mul3A_43 = arith.muli %arg1, %mul3A_42 : i32
    %add3A_44 = arith.addi %mul3A_41, %mul3A_43 : i32
    "tpu.region"() ({
      %run_scoped3A = tpu.sem_alloc : memref<!tpu.dma_semaphore, #tpu.memory_space<semaphore_mem>>
      %dma_start3A = arith.constant 0 : i32
      %dma_start3A_45 = tpu.memref_slice %arg5[%add3A_44, %dma_start3A] : memref<20000x128xf32, #tpu.memory_space<hbm>> -> memref<625x128xf32, #tpu.memory_space<hbm>>
      %dma_start3A_46 = arith.constant 0 : i32
      %dma_start3A_47 = tpu.memref_slice %arg10[%mul3A_39, %dma_start3A_46] : memref<10000x128xf32, #tpu.memory_space<vmem_shared>> -> memref<625x128xf32, #tpu.memory_space<vmem_shared>>
      tpu.enqueue_dma source(%dma_start3A_47 : memref<625x128xf32, #tpu.memory_space<vmem_shared>>) target(%dma_start3A_45 : memref<625x128xf32, #tpu.memory_space<hbm>>) target_semaphore(%run_scoped3A : memref<!tpu.dma_semaphore, #tpu.memory_space<semaphore_mem>>)
      %dma_wait3A = arith.constant 0 : i32
      %dma_wait3A_48 = tpu.memref_slice %arg5[%add3A_44, %dma_wait3A] : memref<20000x128xf32, #tpu.memory_space<hbm>> -> memref<625x128xf32, #tpu.memory_space<hbm>>
      %dma_wait3A_49 = arith.constant 0 : i32
      %dma_wait3A_50 = tpu.memref_slice %arg10[%mul3A_39, %dma_wait3A_49] : memref<10000x128xf32, #tpu.memory_space<vmem_shared>> -> memref<625x128xf32, #tpu.memory_space<vmem_shared>>
      tpu.wait_dma2 semaphore(%run_scoped3A : memref<!tpu.dma_semaphore, #tpu.memory_space<semaphore_mem>>) src(%dma_wait3A_50 : memref<625x128xf32, #tpu.memory_space<vmem_shared>>) dst(%dma_wait3A_48 : memref<625x128xf32, #tpu.memory_space<hbm>>)
      tpu.yield
    }) : () -> ()
    return
  }
}

#map = affine_map<(d0, d1) -> (0, 0)>
module attributes {stable_mosaic.version = 14 : i64} {
  func.func @segsum(%arg0: i32, %arg1: i32, %arg2: memref<10000x128xf32, #tpu.memory_space<hbm>>, %arg3: memref<4000x80xi32, #tpu.memory_space<hbm>>, %arg4: memref<4000x80xi32, #tpu.memory_space<hbm>>, %arg5: memref<20000x128xf32, #tpu.memory_space<hbm>>, %arg6: memref<125x80xi32, #tpu.memory_space<vmem>>, %arg7: memref<125x80xi32, #tpu.memory_space<vmem>>, %arg8: memref<80x128xf32, #tpu.memory_space<vmem>>, %arg9: memref<125x128xf32, #tpu.memory_space<vmem>>, %arg10: memref<10000x128xf32, #tpu.memory_space<vmem_shared>>, %arg11: memref<!tpu.dma_semaphore, #tpu.memory_space<semaphore_mem>>) attributes {dimension_semantics = [#tpu.dimension_semantics<core_parallel>, #tpu.dimension_semantics<subcore_parallel>], iteration_bounds = array<i64: 2, 16>, scalar_prefetch = 0 : i64, scratch_operands = 6 : i64, tpu.core_type = #tpu.core_type<sc_vector_subcore>, window_params = [{transform_indices = #map}, {transform_indices = #map}, {transform_indices = #map}, {transform_indices = #map}]} {
    %mul3A = arith.constant 16 : i32
    %mul3A_0 = arith.muli %arg0, %mul3A : i32
    %add3A = arith.addi %mul3A_0, %arg1 : i32
    %mul3A_1 = arith.constant 125 : i32
    %mul3A_2 = arith.muli %add3A, %mul3A_1 : i32
    "tpu.region"() ({
      %run_scoped3A = tpu.sem_alloc : memref<!tpu.dma_semaphore, #tpu.memory_space<semaphore_mem>>
      %dma_start3A = arith.constant 0 : i32
      %dma_start3A_45 = tpu.memref_slice %arg3[%mul3A_2, %dma_start3A] : memref<4000x80xi32, #tpu.memory_space<hbm>> -> memref<125x80xi32, #tpu.memory_space<hbm>>
      %dma_start3A_46 = arith.constant 0 : i32
      %dma_start3A_47 = tpu.memref_slice %arg3[%mul3A_2, %dma_start3A_46] : memref<4000x80xi32, #tpu.memory_space<hbm>> -> memref<125x80xi32, #tpu.memory_space<hbm>>
      tpu.enqueue_dma source(%dma_start3A_47 : memref<125x80xi32, #tpu.memory_space<hbm>>) target(%arg6 : memref<125x80xi32, #tpu.memory_space<vmem>>) target_semaphore(%run_scoped3A : memref<!tpu.dma_semaphore, #tpu.memory_space<semaphore_mem>>)
      %dma_wait3A = arith.constant 0 : i32
      %dma_wait3A_48 = tpu.memref_slice %arg3[%mul3A_2, %dma_wait3A] : memref<4000x80xi32, #tpu.memory_space<hbm>> -> memref<125x80xi32, #tpu.memory_space<hbm>>
      %dma_wait3A_49 = arith.constant 0 : i32
      %dma_wait3A_50 = tpu.memref_slice %arg3[%mul3A_2, %dma_wait3A_49] : memref<4000x80xi32, #tpu.memory_space<hbm>> -> memref<125x80xi32, #tpu.memory_space<hbm>>
      tpu.wait_dma2 semaphore(%run_scoped3A : memref<!tpu.dma_semaphore, #tpu.memory_space<semaphore_mem>>) src(%dma_wait3A_50 : memref<125x80xi32, #tpu.memory_space<hbm>>) dst(%arg6 : memref<125x80xi32, #tpu.memory_space<vmem>>)
      tpu.yield
    }) : () -> ()
    %mul3A_3 = arith.constant 125 : i32
    %mul3A_4 = arith.muli %add3A, %mul3A_3 : i32
    "tpu.region"() ({
      %run_scoped3A = tpu.sem_alloc : memref<!tpu.dma_semaphore, #tpu.memory_space<semaphore_mem>>
      %dma_start3A = arith.constant 0 : i32
      %dma_start3A_45 = tpu.memref_slice %arg4[%mul3A_4, %dma_start3A] : memref<4000x80xi32, #tpu.memory_space<hbm>> -> memref<125x80xi32, #tpu.memory_space<hbm>>
      %dma_start3A_46 = arith.constant 0 : i32
      %dma_start3A_47 = tpu.memref_slice %arg4[%mul3A_4, %dma_start3A_46] : memref<4000x80xi32, #tpu.memory_space<hbm>> -> memref<125x80xi32, #tpu.memory_space<hbm>>
      tpu.enqueue_dma source(%dma_start3A_47 : memref<125x80xi32, #tpu.memory_space<hbm>>) target(%arg7 : memref<125x80xi32, #tpu.memory_space<vmem>>) target_semaphore(%run_scoped3A : memref<!tpu.dma_semaphore, #tpu.memory_space<semaphore_mem>>)
      %dma_wait3A = arith.constant 0 : i32
      %dma_wait3A_48 = tpu.memref_slice %arg4[%mul3A_4, %dma_wait3A] : memref<4000x80xi32, #tpu.memory_space<hbm>> -> memref<125x80xi32, #tpu.memory_space<hbm>>
      %dma_wait3A_49 = arith.constant 0 : i32
      %dma_wait3A_50 = tpu.memref_slice %arg4[%mul3A_4, %dma_wait3A_49] : memref<4000x80xi32, #tpu.memory_space<hbm>> -> memref<125x80xi32, #tpu.memory_space<hbm>>
      tpu.wait_dma2 semaphore(%run_scoped3A : memref<!tpu.dma_semaphore, #tpu.memory_space<semaphore_mem>>) src(%dma_wait3A_50 : memref<125x80xi32, #tpu.memory_space<hbm>>) dst(%arg7 : memref<125x80xi32, #tpu.memory_space<vmem>>)
      tpu.yield
    }) : () -> ()
    %broadcast_in_dim3A = arith.constant 0.000000e+00 : f32
    %broadcast_in_dim3A_5 = vector.broadcast %broadcast_in_dim3A : f32 to vector<16xf32>
    %scan3A = arith.constant 0 : i32
    %scan3A_6 = arith.constant 0 : i32
    %scan3A_7 = arith.constant 125 : i32
    %scan3A_8 = arith.addi %scan3A_6, %scan3A_7 : i32
    %scan3A_9 = arith.constant 1 : i32
    scf.for %scan3A_45 = %scan3A_6 to %scan3A_8 step %scan3A_9  : i32 {
      %swap3A = arith.index_cast %scan3A_45 : i32 to index
      %swap3A_46 = arith.constant 0 : index
      %swap3A_47 = tpu.vector_load %arg9[%swap3A, %swap3A_46] {strides = array<i32>} : memref<125x128xf32, #tpu.memory_space<vmem>>, vector<1x16xf32>,
      %swap3A_48 = vector.shape_cast %swap3A_47 : vector<1x16xf32> to vector<16xf32>
      %swap3A_49 = vector.shape_cast %broadcast_in_dim3A_5 : vector<16xf32> to vector<1x16xf32>
      tpu.vector_store %arg9[%swap3A, %swap3A_46], %swap3A_49 {strides = array<i32>} : memref<125x128xf32, #tpu.memory_space<vmem>>, vector<1x16xf32>,
      %swap3A_50 = arith.index_cast %scan3A_45 : i32 to index
      %swap3A_51 = arith.constant 16 : index
      %swap3A_52 = tpu.vector_load %arg9[%swap3A_50, %swap3A_51] {strides = array<i32>} : memref<125x128xf32, #tpu.memory_space<vmem>>, vector<1x16xf32>,
      %swap3A_53 = vector.shape_cast %swap3A_52 : vector<1x16xf32> to vector<16xf32>
      %swap3A_54 = vector.shape_cast %broadcast_in_dim3A_5 : vector<16xf32> to vector<1x16xf32>
      tpu.vector_store %arg9[%swap3A_50, %swap3A_51], %swap3A_54 {strides = array<i32>} : memref<125x128xf32, #tpu.memory_space<vmem>>, vector<1x16xf32>,
      %swap3A_55 = arith.index_cast %scan3A_45 : i32 to index
      %swap3A_56 = arith.constant 32 : index
      %swap3A_57 = tpu.vector_load %arg9[%swap3A_55, %swap3A_56] {strides = array<i32>} : memref<125x128xf32, #tpu.memory_space<vmem>>, vector<1x16xf32>,
      %swap3A_58 = vector.shape_cast %swap3A_57 : vector<1x16xf32> to vector<16xf32>
      %swap3A_59 = vector.shape_cast %broadcast_in_dim3A_5 : vector<16xf32> to vector<1x16xf32>
      tpu.vector_store %arg9[%swap3A_55, %swap3A_56], %swap3A_59 {strides = array<i32>} : memref<125x128xf32, #tpu.memory_space<vmem>>, vector<1x16xf32>,
      %swap3A_60 = arith.index_cast %scan3A_45 : i32 to index
      %swap3A_61 = arith.constant 48 : index
      %swap3A_62 = tpu.vector_load %arg9[%swap3A_60, %swap3A_61] {strides = array<i32>} : memref<125x128xf32, #tpu.memory_space<vmem>>, vector<1x16xf32>,
      %swap3A_63 = vector.shape_cast %swap3A_62 : vector<1x16xf32> to vector<16xf32>
      %swap3A_64 = vector.shape_cast %broadcast_in_dim3A_5 : vector<16xf32> to vector<1x16xf32>
      tpu.vector_store %arg9[%swap3A_60, %swap3A_61], %swap3A_64 {strides = array<i32>} : memref<125x128xf32, #tpu.memory_space<vmem>>, vector<1x16xf32>,
      %swap3A_65 = arith.index_cast %scan3A_45 : i32 to index
      %swap3A_66 = arith.constant 64 : index
      %swap3A_67 = tpu.vector_load %arg9[%swap3A_65, %swap3A_66] {strides = array<i32>} : memref<125x128xf32, #tpu.memory_space<vmem>>, vector<1x16xf32>,
      %swap3A_68 = vector.shape_cast %swap3A_67 : vector<1x16xf32> to vector<16xf32>
      %swap3A_69 = vector.shape_cast %broadcast_in_dim3A_5 : vector<16xf32> to vector<1x16xf32>
      tpu.vector_store %arg9[%swap3A_65, %swap3A_66], %swap3A_69 {strides = array<i32>} : memref<125x128xf32, #tpu.memory_space<vmem>>, vector<1x16xf32>,
      %swap3A_70 = arith.index_cast %scan3A_45 : i32 to index
      %swap3A_71 = arith.constant 80 : index
      %swap3A_72 = tpu.vector_load %arg9[%swap3A_70, %swap3A_71] {strides = array<i32>} : memref<125x128xf32, #tpu.memory_space<vmem>>, vector<1x16xf32>,
      %swap3A_73 = vector.shape_cast %swap3A_72 : vector<1x16xf32> to vector<16xf32>
      %swap3A_74 = vector.shape_cast %broadcast_in_dim3A_5 : vector<16xf32> to vector<1x16xf32>
      tpu.vector_store %arg9[%swap3A_70, %swap3A_71], %swap3A_74 {strides = array<i32>} : memref<125x128xf32, #tpu.memory_space<vmem>>, vector<1x16xf32>,
      %swap3A_75 = arith.index_cast %scan3A_45 : i32 to index
      %swap3A_76 = arith.constant 96 : index
      %swap3A_77 = tpu.vector_load %arg9[%swap3A_75, %swap3A_76] {strides = array<i32>} : memref<125x128xf32, #tpu.memory_space<vmem>>, vector<1x16xf32>,
      %swap3A_78 = vector.shape_cast %swap3A_77 : vector<1x16xf32> to vector<16xf32>
      %swap3A_79 = vector.shape_cast %broadcast_in_dim3A_5 : vector<16xf32> to vector<1x16xf32>
      tpu.vector_store %arg9[%swap3A_75, %swap3A_76], %swap3A_79 {strides = array<i32>} : memref<125x128xf32, #tpu.memory_space<vmem>>, vector<1x16xf32>,
      %swap3A_80 = arith.index_cast %scan3A_45 : i32 to index
      %swap3A_81 = arith.constant 112 : index
      %swap3A_82 = tpu.vector_load %arg9[%swap3A_80, %swap3A_81] {strides = array<i32>} : memref<125x128xf32, #tpu.memory_space<vmem>>, vector<1x16xf32>,
      %swap3A_83 = vector.shape_cast %swap3A_82 : vector<1x16xf32> to vector<16xf32>
      %swap3A_84 = vector.shape_cast %broadcast_in_dim3A_5 : vector<16xf32> to vector<1x16xf32>
      tpu.vector_store %arg9[%swap3A_80, %swap3A_81], %swap3A_84 {strides = array<i32>} : memref<125x128xf32, #tpu.memory_space<vmem>>, vector<1x16xf32>,
    }
    %scan3A_10 = arith.constant 125 : i32
    %mul3A_11 = arith.constant 625 : i32
    %mul3A_12 = arith.muli %arg1, %mul3A_11 : i32
    %add3A_13 = arith.constant 0 : i32
    %add3A_14 = arith.addi %mul3A_12, %add3A_13 : i32
    "tpu.region"() ({
      %run_scoped3A = tpu.sem_alloc : memref<!tpu.dma_semaphore, #tpu.memory_space<semaphore_mem>>
      %dma_start3A = arith.constant 0 : i32
      %dma_start3A_45 = tpu.memref_slice %arg10[%add3A_14, %dma_start3A] : memref<10000x128xf32, #tpu.memory_space<vmem_shared>> -> memref<125x128xf32, #tpu.memory_space<vmem_shared>>
      %dma_start3A_46 = arith.constant 0 : i32
      %dma_start3A_47 = tpu.memref_slice %arg10[%add3A_14, %dma_start3A_46] : memref<10000x128xf32, #tpu.memory_space<vmem_shared>> -> memref<125x128xf32, #tpu.memory_space<vmem_shared>>
      tpu.enqueue_dma source(%arg9 : memref<125x128xf32, #tpu.memory_space<vmem>>) target(%dma_start3A_47 : memref<125x128xf32, #tpu.memory_space<vmem_shared>>) target_semaphore(%run_scoped3A : memref<!tpu.dma_semaphore, #tpu.memory_space<semaphore_mem>>)
      %dma_wait3A = arith.constant 0 : i32
      %dma_wait3A_48 = tpu.memref_slice %arg10[%add3A_14, %dma_wait3A] : memref<10000x128xf32, #tpu.memory_space<vmem_shared>> -> memref<125x128xf32, #tpu.memory_space<vmem_shared>>
      %dma_wait3A_49 = arith.constant 0 : i32
      %dma_wait3A_50 = tpu.memref_slice %arg10[%add3A_14, %dma_wait3A_49] : memref<10000x128xf32, #tpu.memory_space<vmem_shared>> -> memref<125x128xf32, #tpu.memory_space<vmem_shared>>
      tpu.wait_dma2 semaphore(%run_scoped3A : memref<!tpu.dma_semaphore, #tpu.memory_space<semaphore_mem>>) src(%arg9 : memref<125x128xf32, #tpu.memory_space<vmem>>) dst(%dma_wait3A_50 : memref<125x128xf32, #tpu.memory_space<vmem_shared>>)
      tpu.yield
    }) : () -> ()
    %mul3A_15 = arith.constant 625 : i32
    %mul3A_16 = arith.muli %arg1, %mul3A_15 : i32
    %add3A_17 = arith.constant 125 : i32
    %add3A_18 = arith.addi %mul3A_16, %add3A_17 : i32
    "tpu.region"() ({
      %run_scoped3A = tpu.sem_alloc : memref<!tpu.dma_semaphore, #tpu.memory_space<semaphore_mem>>
      %dma_start3A = arith.constant 0 : i32
      %dma_start3A_45 = tpu.memref_slice %arg10[%add3A_18, %dma_start3A] : memref<10000x128xf32, #tpu.memory_space<vmem_shared>> -> memref<125x128xf32, #tpu.memory_space<vmem_shared>>
      %dma_start3A_46 = arith.constant 0 : i32
      %dma_start3A_47 = tpu.memref_slice %arg10[%add3A_18, %dma_start3A_46] : memref<10000x128xf32, #tpu.memory_space<vmem_shared>> -> memref<125x128xf32, #tpu.memory_space<vmem_shared>>
      tpu.enqueue_dma source(%arg9 : memref<125x128xf32, #tpu.memory_space<vmem>>) target(%dma_start3A_47 : memref<125x128xf32, #tpu.memory_space<vmem_shared>>) target_semaphore(%run_scoped3A : memref<!tpu.dma_semaphore, #tpu.memory_space<semaphore_mem>>)
      %dma_wait3A = arith.constant 0 : i32
      %dma_wait3A_48 = tpu.memref_slice %arg10[%add3A_18, %dma_wait3A] : memref<10000x128xf32, #tpu.memory_space<vmem_shared>> -> memref<125x128xf32, #tpu.memory_space<vmem_shared>>
      %dma_wait3A_49 = arith.constant 0 : i32
      %dma_wait3A_50 = tpu.memref_slice %arg10[%add3A_18, %dma_wait3A_49] : memref<10000x128xf32, #tpu.memory_space<vmem_shared>> -> memref<125x128xf32, #tpu.memory_space<vmem_shared>>
      tpu.wait_dma2 semaphore(%run_scoped3A : memref<!tpu.dma_semaphore, #tpu.memory_space<semaphore_mem>>) src(%arg9 : memref<125x128xf32, #tpu.memory_space<vmem>>) dst(%dma_wait3A_50 : memref<125x128xf32, #tpu.memory_space<vmem_shared>>)
      tpu.yield
    }) : () -> ()
    %mul3A_19 = arith.constant 625 : i32
    %mul3A_20 = arith.muli %arg1, %mul3A_19 : i32
    %add3A_21 = arith.constant 250 : i32
    %add3A_22 = arith.addi %mul3A_20, %add3A_21 : i32
    "tpu.region"() ({
      %run_scoped3A = tpu.sem_alloc : memref<!tpu.dma_semaphore, #tpu.memory_space<semaphore_mem>>
      %dma_start3A = arith.constant 0 : i32
      %dma_start3A_45 = tpu.memref_slice %arg10[%add3A_22, %dma_start3A] : memref<10000x128xf32, #tpu.memory_space<vmem_shared>> -> memref<125x128xf32, #tpu.memory_space<vmem_shared>>
      %dma_start3A_46 = arith.constant 0 : i32
      %dma_start3A_47 = tpu.memref_slice %arg10[%add3A_22, %dma_start3A_46] : memref<10000x128xf32, #tpu.memory_space<vmem_shared>> -> memref<125x128xf32, #tpu.memory_space<vmem_shared>>
      tpu.enqueue_dma source(%arg9 : memref<125x128xf32, #tpu.memory_space<vmem>>) target(%dma_start3A_47 : memref<125x128xf32, #tpu.memory_space<vmem_shared>>) target_semaphore(%run_scoped3A : memref<!tpu.dma_semaphore, #tpu.memory_space<semaphore_mem>>)
      %dma_wait3A = arith.constant 0 : i32
      %dma_wait3A_48 = tpu.memref_slice %arg10[%add3A_22, %dma_wait3A] : memref<10000x128xf32, #tpu.memory_space<vmem_shared>> -> memref<125x128xf32, #tpu.memory_space<vmem_shared>>
      %dma_wait3A_49 = arith.constant 0 : i32
      %dma_wait3A_50 = tpu.memref_slice %arg10[%add3A_22, %dma_wait3A_49] : memref<10000x128xf32, #tpu.memory_space<vmem_shared>> -> memref<125x128xf32, #tpu.memory_space<vmem_shared>>
      tpu.wait_dma2 semaphore(%run_scoped3A : memref<!tpu.dma_semaphore, #tpu.memory_space<semaphore_mem>>) src(%arg9 : memref<125x128xf32, #tpu.memory_space<vmem>>) dst(%dma_wait3A_50 : memref<125x128xf32, #tpu.memory_space<vmem_shared>>)
      tpu.yield
    }) : () -> ()
    %mul3A_23 = arith.constant 625 : i32
    %mul3A_24 = arith.muli %arg1, %mul3A_23 : i32
    %add3A_25 = arith.constant 375 : i32
    %add3A_26 = arith.addi %mul3A_24, %add3A_25 : i32
    "tpu.region"() ({
      %run_scoped3A = tpu.sem_alloc : memref<!tpu.dma_semaphore, #tpu.memory_space<semaphore_mem>>
      %dma_start3A = arith.constant 0 : i32
      %dma_start3A_45 = tpu.memref_slice %arg10[%add3A_26, %dma_start3A] : memref<10000x128xf32, #tpu.memory_space<vmem_shared>> -> memref<125x128xf32, #tpu.memory_space<vmem_shared>>
      %dma_start3A_46 = arith.constant 0 : i32
      %dma_start3A_47 = tpu.memref_slice %arg10[%add3A_26, %dma_start3A_46] : memref<10000x128xf32, #tpu.memory_space<vmem_shared>> -> memref<125x128xf32, #tpu.memory_space<vmem_shared>>
      tpu.enqueue_dma source(%arg9 : memref<125x128xf32, #tpu.memory_space<vmem>>) target(%dma_start3A_47 : memref<125x128xf32, #tpu.memory_space<vmem_shared>>) target_semaphore(%run_scoped3A : memref<!tpu.dma_semaphore, #tpu.memory_space<semaphore_mem>>)
      %dma_wait3A = arith.constant 0 : i32
      %dma_wait3A_48 = tpu.memref_slice %arg10[%add3A_26, %dma_wait3A] : memref<10000x128xf32, #tpu.memory_space<vmem_shared>> -> memref<125x128xf32, #tpu.memory_space<vmem_shared>>
      %dma_wait3A_49 = arith.constant 0 : i32
      %dma_wait3A_50 = tpu.memref_slice %arg10[%add3A_26, %dma_wait3A_49] : memref<10000x128xf32, #tpu.memory_space<vmem_shared>> -> memref<125x128xf32, #tpu.memory_space<vmem_shared>>
      tpu.wait_dma2 semaphore(%run_scoped3A : memref<!tpu.dma_semaphore, #tpu.memory_space<semaphore_mem>>) src(%arg9 : memref<125x128xf32, #tpu.memory_space<vmem>>) dst(%dma_wait3A_50 : memref<125x128xf32, #tpu.memory_space<vmem_shared>>)
      tpu.yield
    }) : () -> ()
    %mul3A_27 = arith.constant 625 : i32
    %mul3A_28 = arith.muli %arg1, %mul3A_27 : i32
    %add3A_29 = arith.constant 500 : i32
    %add3A_30 = arith.addi %mul3A_28, %add3A_29 : i32
    "tpu.region"() ({
      %run_scoped3A = tpu.sem_alloc : memref<!tpu.dma_semaphore, #tpu.memory_space<semaphore_mem>>
      %dma_start3A = arith.constant 0 : i32
      %dma_start3A_45 = tpu.memref_slice %arg10[%add3A_30, %dma_start3A] : memref<10000x128xf32, #tpu.memory_space<vmem_shared>> -> memref<125x128xf32, #tpu.memory_space<vmem_shared>>
      %dma_start3A_46 = arith.constant 0 : i32
      %dma_start3A_47 = tpu.memref_slice %arg10[%add3A_30, %dma_start3A_46] : memref<10000x128xf32, #tpu.memory_space<vmem_shared>> -> memref<125x128xf32, #tpu.memory_space<vmem_shared>>
      tpu.enqueue_dma source(%arg9 : memref<125x128xf32, #tpu.memory_space<vmem>>) target(%dma_start3A_47 : memref<125x128xf32, #tpu.memory_space<vmem_shared>>) target_semaphore(%run_scoped3A : memref<!tpu.dma_semaphore, #tpu.memory_space<semaphore_mem>>)
      %dma_wait3A = arith.constant 0 : i32
      %dma_wait3A_48 = tpu.memref_slice %arg10[%add3A_30, %dma_wait3A] : memref<10000x128xf32, #tpu.memory_space<vmem_shared>> -> memref<125x128xf32, #tpu.memory_space<vmem_shared>>
      %dma_wait3A_49 = arith.constant 0 : i32
      %dma_wait3A_50 = tpu.memref_slice %arg10[%add3A_30, %dma_wait3A_49] : memref<10000x128xf32, #tpu.memory_space<vmem_shared>> -> memref<125x128xf32, #tpu.memory_space<vmem_shared>>
      tpu.wait_dma2 semaphore(%run_scoped3A : memref<!tpu.dma_semaphore, #tpu.memory_space<semaphore_mem>>) src(%arg9 : memref<125x128xf32, #tpu.memory_space<vmem>>) dst(%dma_wait3A_50 : memref<125x128xf32, #tpu.memory_space<vmem_shared>>)
      tpu.yield
    }) : () -> ()
    %barrier3A = arith.constant 0 : index
    tpu.barrier barrier_id(%barrier3A)
    %scan3A_31 = arith.constant 0 : i32
    %scan3A_32 = arith.constant 0 : i32
    %scan3A_33 = arith.constant 125 : i32
    %scan3A_34 = arith.addi %scan3A_32, %scan3A_33 : i32
    %scan3A_35 = arith.constant 1 : i32
    scf.for %scan3A_45 = %scan3A_32 to %scan3A_34 step %scan3A_35  : i32 {
      %dma_start3A = arith.constant 0 : i32
      %dma_start3A_46 = tpu.memref_slice %arg6[%scan3A_45, %dma_start3A] : memref<125x80xi32, #tpu.memory_space<vmem>> -> memref<1x80xi32, #tpu.memory_space<vmem>>
      %dma_start3A_47 = tpu.memref_squeeze %dma_start3A_46 : memref<1x80xi32, #tpu.memory_space<vmem>> -> memref<80xi32, #tpu.memory_space<vmem>>
      %dma_start3A_48 = arith.constant 0 : i32
      %dma_start3A_49 = arith.constant 0 : i32
      %dma_start3A_50 = tpu.memref_slice %arg2[%dma_start3A_48, %dma_start3A_49] : memref<10000x128xf32, #tpu.memory_space<hbm>> -> memref<10000x128xf32, #tpu.memory_space<hbm>>
      tpu.enqueue_indirect_dma source(%dma_start3A_50 : memref<10000x128xf32, #tpu.memory_space<hbm>>) target(%arg8 : memref<80x128xf32, #tpu.memory_space<vmem>>) offsets(%dma_start3A_47 : memref<80xi32, #tpu.memory_space<vmem>>) semaphore(%arg11 : memref<!tpu.dma_semaphore, #tpu.memory_space<semaphore_mem>>)
      %dma_wait3A = arith.constant 0 : i32
      %dma_wait3A_51 = tpu.memref_slice %arg6[%scan3A_45, %dma_wait3A] : memref<125x80xi32, #tpu.memory_space<vmem>> -> memref<1x80xi32, #tpu.memory_space<vmem>>
      %dma_wait3A_52 = tpu.memref_squeeze %dma_wait3A_51 : memref<1x80xi32, #tpu.memory_space<vmem>> -> memref<80xi32, #tpu.memory_space<vmem>>
      %dma_wait3A_53 = arith.constant 0 : i32
      %dma_wait3A_54 = arith.constant 0 : i32
      %dma_wait3A_55 = tpu.memref_slice %arg2[%dma_wait3A_53, %dma_wait3A_54] : memref<10000x128xf32, #tpu.memory_space<hbm>> -> memref<10000x128xf32, #tpu.memory_space<hbm>>
      tpu.wait_indirect_dma semaphore(%arg11 : memref<!tpu.dma_semaphore, #tpu.memory_space<semaphore_mem>>) src(%dma_wait3A_55 : memref<10000x128xf32, #tpu.memory_space<hbm>>) dst(%arg8 : memref<80x128xf32, #tpu.memory_space<vmem>>)
      "tpu.region"() ({
        %run_scoped3A = tpu.sem_alloc : memref<!tpu.dma_semaphore, #tpu.memory_space<semaphore_mem>>
        %dma_start3A_56 = arith.constant 0 : i32
        %dma_start3A_57 = tpu.memref_slice %arg7[%scan3A_45, %dma_start3A_56] : memref<125x80xi32, #tpu.memory_space<vmem>> -> memref<1x80xi32, #tpu.memory_space<vmem>>
        %dma_start3A_58 = tpu.memref_squeeze %dma_start3A_57 : memref<1x80xi32, #tpu.memory_space<vmem>> -> memref<80xi32, #tpu.memory_space<vmem>>
        %dma_start3A_59 = arith.constant 0 : i32
        %dma_start3A_60 = arith.constant 0 : i32
        %dma_start3A_61 = tpu.memref_slice %arg10[%dma_start3A_59, %dma_start3A_60] : memref<10000x128xf32, #tpu.memory_space<vmem_shared>> -> memref<10000x128xf32, #tpu.memory_space<vmem_shared>>
        tpu.enqueue_indirect_dma source(%arg8 : memref<80x128xf32, #tpu.memory_space<vmem>>) target(%dma_start3A_61 : memref<10000x128xf32, #tpu.memory_space<vmem_shared>>) offsets(%dma_start3A_58 : memref<80xi32, #tpu.memory_space<vmem>>) semaphore(%run_scoped3A : memref<!tpu.dma_semaphore, #tpu.memory_space<semaphore_mem>>) {add = true}
        %dma_wait3A_62 = arith.constant 0 : i32
        %dma_wait3A_63 = tpu.memref_slice %arg7[%scan3A_45, %dma_wait3A_62] : memref<125x80xi32, #tpu.memory_space<vmem>> -> memref<1x80xi32, #tpu.memory_space<vmem>>
        %dma_wait3A_64 = tpu.memref_squeeze %dma_wait3A_63 : memref<1x80xi32, #tpu.memory_space<vmem>> -> memref<80xi32, #tpu.memory_space<vmem>>
        %dma_wait3A_65 = arith.constant 0 : i32
        %dma_wait3A_66 = arith.constant 0 : i32
        %dma_wait3A_67 = tpu.memref_slice %arg10[%dma_wait3A_65, %dma_wait3A_66] : memref<10000x128xf32, #tpu.memory_space<vmem_shared>> -> memref<10000x128xf32, #tpu.memory_space<vmem_shared>>
        tpu.wait_indirect_dma semaphore(%run_scoped3A : memref<!tpu.dma_semaphore, #tpu.memory_space<semaphore_mem>>) src(%arg8 : memref<80x128xf32, #tpu.memory_space<vmem>>) dst(%dma_wait3A_67 : memref<10000x128xf32, #tpu.memory_space<vmem_shared>>)
        tpu.yield
      }) : () -> ()
    }
    %scan3A_36 = arith.constant 125 : i32
    %barrier3A_37 = arith.constant 0 : index
    tpu.barrier barrier_id(%barrier3A_37)
    %mul3A_38 = arith.constant 625 : i32
    %mul3A_39 = arith.muli %arg1, %mul3A_38 : i32
    %mul3A_40 = arith.constant 10000 : i32
    %mul3A_41 = arith.muli %arg0, %mul3A_40 : i32
    %mul3A_42 = arith.constant 625 : i32
    %mul3A_43 = arith.muli %arg1, %mul3A_42 : i32
    %add3A_44 = arith.addi %mul3A_41, %mul3A_43 : i32
    "tpu.region"() ({
      %run_scoped3A = tpu.sem_alloc : memref<!tpu.dma_semaphore, #tpu.memory_space<semaphore_mem>>
      %dma_start3A = arith.constant 0 : i32
      %dma_start3A_45 = tpu.memref_slice %arg5[%add3A_44, %dma_start3A] : memref<20000x128xf32, #tpu.memory_space<hbm>> -> memref<625x128xf32, #tpu.memory_space<hbm>>
      %dma_start3A_46 = arith.constant 0 : i32
      %dma_start3A_47 = tpu.memref_slice %arg10[%mul3A_39, %dma_start3A_46] : memref<10000x128xf32, #tpu.memory_space<vmem_shared>> -> memref<625x128xf32, #tpu.memory_space<vmem_shared>>
      tpu.enqueue_dma source(%dma_start3A_47 : memref<625x128xf32, #tpu.memory_space<vmem_shared>>) target(%dma_start3A_45 : memref<625x128xf32, #tpu.memory_space<hbm>>) target_semaphore(%run_scoped3A : memref<!tpu.dma_semaphore, #tpu.memory_space<semaphore_mem>>)
      %dma_wait3A = arith.constant 0 : i32
      %dma_wait3A_48 = tpu.memref_slice %arg5[%add3A_44, %dma_wait3A] : memref<20000x128xf32, #tpu.memory_space<hbm>> -> memref<625x128xf32, #tpu.memory_space<hbm>>
      %dma_wait3A_49 = arith.constant 0 : i32
      %dma_wait3A_50 = tpu.memref_slice %arg10[%mul3A_39, %dma_wait3A_49] : memref<10000x128xf32, #tpu.memory_space<vmem_shared>> -> memref<625x128xf32, #tpu.memory_space<vmem_shared>>
      tpu.wait_dma2 semaphore(%run_scoped3A : memref<!tpu.dma_semaphore, #tpu.memory_space<semaphore_mem>>) src(%dma_wait3A_50 : memref<625x128xf32, #tpu.memory_space<vmem_shared>>) dst(%dma_wait3A_48 : memref<625x128xf32, #tpu.memory_space<hbm>>)
      tpu.yield
    }) : () -> ()
    return
  }
}

module attributes {stable_mosaic.version = 14 : i64} {
  func.func @_tc_layer_body(%arg0: memref<10000x128xf32, #tpu.memory_space<vmem>>, %arg1: memref<20000x128xf32, #tpu.memory_space<vmem>>, %arg2: memref<10000x1xi32, #tpu.memory_space<vmem>>, %arg3: memref<128x128xf32, #tpu.memory_space<vmem>>, %arg4: memref<128x128xf32, #tpu.memory_space<vmem>>, %arg5: memref<1x128xf32, #tpu.memory_space<vmem>>, %arg6: memref<1x128xf32, #tpu.memory_space<vmem>>, %arg7: memref<1x128xf32, #tpu.memory_space<vmem>>, %arg8: memref<10000x128xf32, #tpu.memory_space<vmem>>) attributes {dimension_semantics = [], scalar_prefetch = 0 : i64, scratch_operands = 0 : i64, tpu.core_type = #tpu.core_type<tc>} {
    %get3A = arith.constant 0 : index
    %get3A_0 = arith.constant 0 : index
    %get3A_1 = vector.load %arg2[%get3A, %get3A_0] : memref<10000x1xi32, #tpu.memory_space<vmem>>, vector<10000x1xi32>
    %convert_element_type3A = arith.sitofp %get3A_1 : vector<10000x1xi32> to vector<10000x1xf32>
    %max3A = arith.constant 1.000000e+00 : f32
    %max3A_2 = vector.broadcast %max3A : f32 to vector<10000x1xf32>
    %max3A_3 = arith.maximumf %convert_element_type3A, %max3A_2 : vector<10000x1xf32>
    %div3A = arith.constant 1.000000e+00 : f32
    %div3A_4 = vector.broadcast %div3A : f32 to vector<10000x1xf32>
    %div3A_5 = arith.divf %div3A_4, %max3A_3 : vector<10000x1xf32>
    %get3A_6 = arith.constant 0 : index
    %get3A_7 = arith.constant 0 : index
    %get3A_8 = vector.load %arg1[%get3A_6, %get3A_7] : memref<20000x128xf32, #tpu.memory_space<vmem>>, vector<10000x128xf32>
    %get3A_9 = arith.constant 10000 : index
    %get3A_10 = arith.constant 0 : index
    %get3A_11 = vector.load %arg1[%get3A_9, %get3A_10] : memref<20000x128xf32, #tpu.memory_space<vmem>>, vector<10000x128xf32>
    %add3A = arith.addf %get3A_8, %get3A_11 : vector<10000x128xf32>
    %mul3A = vector.broadcast %div3A_5 : vector<10000x1xf32> to vector<10000x128xf32>
    %mul3A_12 = arith.mulf %add3A, %mul3A : vector<10000x128xf32>
    %get3A_13 = arith.constant 0 : index
    %get3A_14 = arith.constant 0 : index
    %get3A_15 = vector.load %arg0[%get3A_13, %get3A_14] : memref<10000x128xf32, #tpu.memory_space<vmem>>, vector<10000x128xf32>
    %get3A_16 = arith.constant 0 : index
    %get3A_17 = arith.constant 0 : index
    %get3A_18 = vector.load %arg3[%get3A_16, %get3A_17] : memref<128x128xf32, #tpu.memory_space<vmem>>, vector<128x128xf32>
    %dot_general3A = arith.constant dense<0.000000e+00> : vector<10000x128xf32>
    %dot_general3A_19 = tpu.matmul %get3A_15, %get3A_18, %dot_general3A {dimension_numbers = #tpu.dot_dimension_numbers<[1], [0], [0], [1], [0, 0, 1, 1], [], []>, transpose_lhs_hint = false} : vector<10000x128xf32>, vector<128x128xf32>, vector<10000x128xf32> -> vector<10000x128xf32>
    %get3A_20 = arith.constant 0 : index
    %get3A_21 = arith.constant 0 : index
    %get3A_22 = vector.load %arg4[%get3A_20, %get3A_21] : memref<128x128xf32, #tpu.memory_space<vmem>>, vector<128x128xf32>
    %dot_general3A_23 = arith.constant dense<0.000000e+00> : vector<10000x128xf32>
    %dot_general3A_24 = tpu.matmul %mul3A_12, %get3A_22, %dot_general3A_23 {dimension_numbers = #tpu.dot_dimension_numbers<[1], [0], [0], [1], [0, 0, 1, 1], [], []>, transpose_lhs_hint = false} : vector<10000x128xf32>, vector<128x128xf32>, vector<10000x128xf32> -> vector<10000x128xf32>
    %add3A_25 = arith.addf %dot_general3A_19, %dot_general3A_24 : vector<10000x128xf32>
    %get3A_26 = arith.constant 0 : index
    %get3A_27 = arith.constant 0 : index
    %get3A_28 = vector.load %arg5[%get3A_26, %get3A_27] : memref<1x128xf32, #tpu.memory_space<vmem>>, vector<1x128xf32>
    %add3A_29 = vector.broadcast %get3A_28 : vector<1x128xf32> to vector<10000x128xf32>
    %add3A_30 = arith.addf %add3A_25, %add3A_29 : vector<10000x128xf32>
    %reduce_sum3A = arith.constant dense<0.000000e+00> : vector<128xf32>
    %reduce_sum3A_31 = vector.multi_reduction <add>, %add3A_30, %reduce_sum3A [0] : vector<10000x128xf32> to vector<128xf32>
    %broadcast_in_dim3A = vector.shape_cast %reduce_sum3A_31 : vector<128xf32> to vector<1x128xf32>
    %div3A_32 = arith.constant 1.000000e+04 : f32
    %div3A_33 = vector.broadcast %div3A_32 : f32 to vector<1x128xf32>
    %div3A_34 = arith.divf %broadcast_in_dim3A, %div3A_33 : vector<1x128xf32>
    %sub3A = vector.broadcast %div3A_34 : vector<1x128xf32> to vector<10000x128xf32>
    %sub3A_35 = arith.subf %add3A_30, %sub3A : vector<10000x128xf32>
    %integer_pow3A = arith.mulf %sub3A_35, %sub3A_35 : vector<10000x128xf32>
    %reduce_sum3A_36 = arith.constant dense<0.000000e+00> : vector<128xf32>
    %reduce_sum3A_37 = vector.multi_reduction <add>, %integer_pow3A, %reduce_sum3A_36 [0] : vector<10000x128xf32> to vector<128xf32>
    %broadcast_in_dim3A_38 = vector.shape_cast %reduce_sum3A_37 : vector<128xf32> to vector<1x128xf32>
    %div3A_39 = arith.constant 1.000000e+04 : f32
    %div3A_40 = vector.broadcast %div3A_39 : f32 to vector<1x128xf32>
    %div3A_41 = arith.divf %broadcast_in_dim3A_38, %div3A_40 : vector<1x128xf32>
    %sub3A_42 = vector.broadcast %div3A_34 : vector<1x128xf32> to vector<10000x128xf32>
    %sub3A_43 = arith.subf %add3A_30, %sub3A_42 : vector<10000x128xf32>
    %add3A_44 = arith.constant 9.99999974E-6 : f32
    %add3A_45 = vector.broadcast %add3A_44 : f32 to vector<1x128xf32>
    %add3A_46 = arith.addf %div3A_41, %add3A_45 : vector<1x128xf32>
    %rsqrt3A = math.rsqrt %add3A_46 : vector<1x128xf32>
    %mul3A_47 = vector.broadcast %rsqrt3A : vector<1x128xf32> to vector<10000x128xf32>
    %mul3A_48 = arith.mulf %sub3A_43, %mul3A_47 : vector<10000x128xf32>
    %get3A_49 = arith.constant 0 : index
    %get3A_50 = arith.constant 0 : index
    %get3A_51 = vector.load %arg6[%get3A_49, %get3A_50] : memref<1x128xf32, #tpu.memory_space<vmem>>, vector<1x128xf32>
    %mul3A_52 = vector.broadcast %get3A_51 : vector<1x128xf32> to vector<10000x128xf32>
    %mul3A_53 = arith.mulf %mul3A_48, %mul3A_52 : vector<10000x128xf32>
    %get3A_54 = arith.constant 0 : index
    %get3A_55 = arith.constant 0 : index
    %get3A_56 = vector.load %arg7[%get3A_54, %get3A_55] : memref<1x128xf32, #tpu.memory_space<vmem>>, vector<1x128xf32>
    %add3A_57 = vector.broadcast %get3A_56 : vector<1x128xf32> to vector<10000x128xf32>
    %add3A_58 = arith.addf %mul3A_53, %add3A_57 : vector<10000x128xf32>
    %max3A_59 = arith.constant 0.000000e+00 : f32
    %max3A_60 = vector.broadcast %max3A_59 : f32 to vector<10000x128xf32>
    %max3A_61 = arith.maximumf %add3A_58, %max3A_60 : vector<10000x128xf32>
    %swap3A = arith.constant 0 : index
    %swap3A_62 = arith.constant 0 : index
    %swap3A_63 = vector.load %arg8[%swap3A, %swap3A_62] : memref<10000x128xf32, #tpu.memory_space<vmem>>, vector<10000x128xf32>
    tpu.vector_store %arg8[%swap3A, %swap3A_62], %max3A_61 {strides = array<i32>} : memref<10000x128xf32, #tpu.memory_space<vmem>>, vector<10000x128xf32>,
    return
  }
}

module attributes {stable_mosaic.version = 14 : i64} {
  func.func @_tc_final_body(%arg0: memref<10000x128xf32, #tpu.memory_space<vmem>>, %arg1: memref<20000x128xf32, #tpu.memory_space<vmem>>, %arg2: memref<10000x1xi32, #tpu.memory_space<vmem>>, %arg3: memref<128x128xf32, #tpu.memory_space<vmem>>, %arg4: memref<128x128xf32, #tpu.memory_space<vmem>>, %arg5: memref<1x128xf32, #tpu.memory_space<vmem>>, %arg6: memref<1x128xf32, #tpu.memory_space<vmem>>, %arg7: memref<1x128xf32, #tpu.memory_space<vmem>>, %arg8: memref<128x12xf32, #tpu.memory_space<vmem>>, %arg9: memref<1x12xf32, #tpu.memory_space<vmem>>, %arg10: memref<1x12xf32, #tpu.memory_space<vmem>>) attributes {dimension_semantics = [], scalar_prefetch = 0 : i64, scratch_operands = 0 : i64, tpu.core_type = #tpu.core_type<tc>} {
    %get3A = arith.constant 0 : index
    %get3A_0 = arith.constant 0 : index
    %get3A_1 = vector.load %arg2[%get3A, %get3A_0] : memref<10000x1xi32, #tpu.memory_space<vmem>>, vector<10000x1xi32>
    %convert_element_type3A = arith.sitofp %get3A_1 : vector<10000x1xi32> to vector<10000x1xf32>
    %max3A = arith.constant 1.000000e+00 : f32
    %max3A_2 = vector.broadcast %max3A : f32 to vector<10000x1xf32>
    %max3A_3 = arith.maximumf %convert_element_type3A, %max3A_2 : vector<10000x1xf32>
    %div3A = arith.constant 1.000000e+00 : f32
    %div3A_4 = vector.broadcast %div3A : f32 to vector<10000x1xf32>
    %div3A_5 = arith.divf %div3A_4, %max3A_3 : vector<10000x1xf32>
    %get3A_6 = arith.constant 0 : index
    %get3A_7 = arith.constant 0 : index
    %get3A_8 = vector.load %arg1[%get3A_6, %get3A_7] : memref<20000x128xf32, #tpu.memory_space<vmem>>, vector<10000x128xf32>
    %get3A_9 = arith.constant 10000 : index
    %get3A_10 = arith.constant 0 : index
    %get3A_11 = vector.load %arg1[%get3A_9, %get3A_10] : memref<20000x128xf32, #tpu.memory_space<vmem>>, vector<10000x128xf32>
    %add3A = arith.addf %get3A_8, %get3A_11 : vector<10000x128xf32>
    %mul3A = vector.broadcast %div3A_5 : vector<10000x1xf32> to vector<10000x128xf32>
    %mul3A_12 = arith.mulf %add3A, %mul3A : vector<10000x128xf32>
    %get3A_13 = arith.constant 0 : index
    %get3A_14 = arith.constant 0 : index
    %get3A_15 = vector.load %arg0[%get3A_13, %get3A_14] : memref<10000x128xf32, #tpu.memory_space<vmem>>, vector<10000x128xf32>
    %get3A_16 = arith.constant 0 : index
    %get3A_17 = arith.constant 0 : index
    %get3A_18 = vector.load %arg3[%get3A_16, %get3A_17] : memref<128x128xf32, #tpu.memory_space<vmem>>, vector<128x128xf32>
    %dot_general3A = arith.constant dense<0.000000e+00> : vector<10000x128xf32>
    %dot_general3A_19 = tpu.matmul %get3A_15, %get3A_18, %dot_general3A {dimension_numbers = #tpu.dot_dimension_numbers<[1], [0], [0], [1], [0, 0, 1, 1], [], []>, transpose_lhs_hint = false} : vector<10000x128xf32>, vector<128x128xf32>, vector<10000x128xf32> -> vector<10000x128xf32>
    %get3A_20 = arith.constant 0 : index
    %get3A_21 = arith.constant 0 : index
    %get3A_22 = vector.load %arg4[%get3A_20, %get3A_21] : memref<128x128xf32, #tpu.memory_space<vmem>>, vector<128x128xf32>
    %dot_general3A_23 = arith.constant dense<0.000000e+00> : vector<10000x128xf32>
    %dot_general3A_24 = tpu.matmul %mul3A_12, %get3A_22, %dot_general3A_23 {dimension_numbers = #tpu.dot_dimension_numbers<[1], [0], [0], [1], [0, 0, 1, 1], [], []>, transpose_lhs_hint = false} : vector<10000x128xf32>, vector<128x128xf32>, vector<10000x128xf32> -> vector<10000x128xf32>
    %add3A_25 = arith.addf %dot_general3A_19, %dot_general3A_24 : vector<10000x128xf32>
    %get3A_26 = arith.constant 0 : index
    %get3A_27 = arith.constant 0 : index
    %get3A_28 = vector.load %arg5[%get3A_26, %get3A_27] : memref<1x128xf32, #tpu.memory_space<vmem>>, vector<1x128xf32>
    %add3A_29 = vector.broadcast %get3A_28 : vector<1x128xf32> to vector<10000x128xf32>
    %add3A_30 = arith.addf %add3A_25, %add3A_29 : vector<10000x128xf32>
    %reduce_sum3A = arith.constant dense<0.000000e+00> : vector<128xf32>
    %reduce_sum3A_31 = vector.multi_reduction <add>, %add3A_30, %reduce_sum3A [0] : vector<10000x128xf32> to vector<128xf32>
    %broadcast_in_dim3A = vector.shape_cast %reduce_sum3A_31 : vector<128xf32> to vector<1x128xf32>
    %div3A_32 = arith.constant 1.000000e+04 : f32
    %div3A_33 = vector.broadcast %div3A_32 : f32 to vector<1x128xf32>
    %div3A_34 = arith.divf %broadcast_in_dim3A, %div3A_33 : vector<1x128xf32>
    %sub3A = vector.broadcast %div3A_34 : vector<1x128xf32> to vector<10000x128xf32>
    %sub3A_35 = arith.subf %add3A_30, %sub3A : vector<10000x128xf32>
    %integer_pow3A = arith.mulf %sub3A_35, %sub3A_35 : vector<10000x128xf32>
    %reduce_sum3A_36 = arith.constant dense<0.000000e+00> : vector<128xf32>
    %reduce_sum3A_37 = vector.multi_reduction <add>, %integer_pow3A, %reduce_sum3A_36 [0] : vector<10000x128xf32> to vector<128xf32>
    %broadcast_in_dim3A_38 = vector.shape_cast %reduce_sum3A_37 : vector<128xf32> to vector<1x128xf32>
    %div3A_39 = arith.constant 1.000000e+04 : f32
    %div3A_40 = vector.broadcast %div3A_39 : f32 to vector<1x128xf32>
    %div3A_41 = arith.divf %broadcast_in_dim3A_38, %div3A_40 : vector<1x128xf32>
    %sub3A_42 = vector.broadcast %div3A_34 : vector<1x128xf32> to vector<10000x128xf32>
    %sub3A_43 = arith.subf %add3A_30, %sub3A_42 : vector<10000x128xf32>
    %add3A_44 = arith.constant 9.99999974E-6 : f32
    %add3A_45 = vector.broadcast %add3A_44 : f32 to vector<1x128xf32>
    %add3A_46 = arith.addf %div3A_41, %add3A_45 : vector<1x128xf32>
    %rsqrt3A = math.rsqrt %add3A_46 : vector<1x128xf32>
    %mul3A_47 = vector.broadcast %rsqrt3A : vector<1x128xf32> to vector<10000x128xf32>
    %mul3A_48 = arith.mulf %sub3A_43, %mul3A_47 : vector<10000x128xf32>
    %get3A_49 = arith.constant 0 : index
    %get3A_50 = arith.constant 0 : index
    %get3A_51 = vector.load %arg6[%get3A_49, %get3A_50] : memref<1x128xf32, #tpu.memory_space<vmem>>, vector<1x128xf32>
    %mul3A_52 = vector.broadcast %get3A_51 : vector<1x128xf32> to vector<10000x128xf32>
    %mul3A_53 = arith.mulf %mul3A_48, %mul3A_52 : vector<10000x128xf32>
    %get3A_54 = arith.constant 0 : index
    %get3A_55 = arith.constant 0 : index
    %get3A_56 = vector.load %arg7[%get3A_54, %get3A_55] : memref<1x128xf32, #tpu.memory_space<vmem>>, vector<1x128xf32>
    %add3A_57 = vector.broadcast %get3A_56 : vector<1x128xf32> to vector<10000x128xf32>
    %add3A_58 = arith.addf %mul3A_53, %add3A_57 : vector<10000x128xf32>
    %max3A_59 = arith.constant 0.000000e+00 : f32
    %max3A_60 = vector.broadcast %max3A_59 : f32 to vector<10000x128xf32>
    %max3A_61 = arith.maximumf %add3A_58, %max3A_60 : vector<10000x128xf32>
    %reduce_sum3A_62 = arith.constant dense<0.000000e+00> : vector<128xf32>
    %reduce_sum3A_63 = vector.multi_reduction <add>, %max3A_61, %reduce_sum3A_62 [0] : vector<10000x128xf32> to vector<128xf32>
    %broadcast_in_dim3A_64 = vector.shape_cast %reduce_sum3A_63 : vector<128xf32> to vector<1x128xf32>
    %div3A_65 = arith.constant 1.000000e+04 : f32
    %div3A_66 = vector.broadcast %div3A_65 : f32 to vector<1x128xf32>
    %div3A_67 = arith.divf %broadcast_in_dim3A_64, %div3A_66 : vector<1x128xf32>
    %get3A_68 = arith.constant 0 : index
    %get3A_69 = arith.constant 0 : index
    %get3A_70 = vector.load %arg8[%get3A_68, %get3A_69] : memref<128x12xf32, #tpu.memory_space<vmem>>, vector<128x12xf32>
    %dot_general3A_71 = arith.constant dense<0.000000e+00> : vector<1x12xf32>
    %dot_general3A_72 = tpu.matmul %div3A_67, %get3A_70, %dot_general3A_71 {dimension_numbers = #tpu.dot_dimension_numbers<[1], [0], [0], [1], [0, 0, 1, 1], [], []>, transpose_lhs_hint = false} : vector<1x128xf32>, vector<128x12xf32>, vector<1x12xf32> -> vector<1x12xf32>
    %get3A_73 = arith.constant 0 : index
    %get3A_74 = arith.constant 0 : index
    %get3A_75 = vector.load %arg9[%get3A_73, %get3A_74] : memref<1x12xf32, #tpu.memory_space<vmem>>, vector<1x12xf32>
    %add3A_76 = arith.addf %dot_general3A_72, %get3A_75 : vector<1x12xf32>
    %swap3A = arith.constant 0 : index
    %swap3A_77 = arith.constant 0 : index
    %swap3A_78 = vector.load %arg10[%swap3A, %swap3A_77] : memref<1x12xf32, #tpu.memory_space<vmem>>, vector<1x12xf32>
    tpu.vector_store %arg10[%swap3A, %swap3A_77], %add3A_76 {strides = array<i32>} : memref<1x12xf32, #tpu.memory_space<vmem>>, vector<1x12xf32>,
    return
  }
}

</mosaic_0001>

<sc_bundles>
// kernel: kernel.6.cloned.1.call-start
scs
__scs_entry_jumppad:
0x0: {  	(pc) =	sbr.rel $0x88, $3  }
0x1: {  	(tag) =	ssettag $0x0;
	lr =	simm.s32 $0x1  }
0x2: {  	[smem:$0x3F92] =	sst lr;
	_ =	strace $0xD0000000  }
0x3: {  	_ = 	snop  }
0x4: {  	_ = 	snop  }
0x5: {  	_ = 	snop  }
0x6: {  	_ = 	snop  }
0x7: {  	_ = 	snop  }
__scs_overlays_trampoline_lowered:
0x8: {  	[smem:$0x3FA1] =	sst s0  }
0x9: {  	[smem:$0x3FA2] =	sst s1  }
0xa: {  	[smem:$0x3FA3] =	sst s2  }
0xb: {  	[smem:$0x3FA4] =	sst s3  }
0xc: {  	[smem:$0x3FA5] =	sst s4  }
0xd: {  	[smem:$0x3FA6] =	sst s5  }
0xe: {  	[smem:$0x3FA7] =	sst s6  }
0xf: {  	[smem:$0x3FA8] =	sst s7  }
0x10: {  	[smem:$0x3FA9] =	sst s8  }
0x11: {  	[smem:$0x3FAA] =	sst s9;
	s0 =	simm.s32 @!p0 $0x0  }
0x12: {  	s1 =	sld [smem:$0x3F90];
	s0 =	simm.s32 @p0 $0x1  }
0x13: {  	[smem:$0x3FAB] =	sst s0;
	s0 =	simm.s32 @!p1 $0x0  }
0x14: {  	s2 =	sld [smem:$0x3F8F];
	s0 =	simm.s32 @p1 $0x1  }
0x15: {  	[smem:$0x3FAC] =	sst s0;
	s0 =	simm.s32 @!p2 $0x0  }
0x16: {  	s3 =	sld [smem:$0x3FDB];
	s0 =	simm.s32 @p2 $0x1  }
0x17: {  	s4 =	simm.s32 $0x1BF5;
	[smem:$0x3FAE] =	sst s0  }
0x18: {  	s0 =	sld [smem:$0x3F91];
	_ =	swait.ge [sflag:s4], $0x0  }
0x19: {  	s7 =	sld [smem:$0x3F92]  }
0x1a: {  	s8 =	sadd.s32 $0xFFFFE003, lr  }
0x1b: {  	s9 =	sadd.s32 $0xFFFFFEF7, lr;
	s5 =	simm.s32 $0xFFFFFFFF;
	p2 =	slt.u32 s8, $0xFFFFF086  }
0x1c: {  	p1 =	slt.u32 s9, $0xF7A;
	s5 =	simm.s32 @!p2 $0x0  }
0x1d: {  	s5 =	simm.s32 @p1 $0x1;
	p0 =	seq.s32 s7, s2  }
0x1e: {  	s7 =	smul.u32 @!p0 $0xF7A, s2;
	p2 =	seq.s32 @!p0 s5, $0x0  }
0x1f: {  	s9 =	smul.u32 $0xF7A, s1;
	s8 =	simm.s32 @!p0 $0x1BF5;
	p2 =	por !p2, p0  }
0x20: {  	[sflag:s8] =	ssyncset.s32 @!p0 $0xFFFFF086;
	s6 =	sadd.s32 @!p0 s3, s7;
	s7 =	simm.s32 @!p0 $0x108  }
0x21: {  	s3 =	sadd.s32 s3, s9;
	s6 =	sadd.s32 @!p0 $0x88, s6;
	s7 =	simm.s32 @p2 $0x1082  }
0x22: {  	[simem:s7], [sflag:s8] =	dma.local @!p0 [hbm:s6], $0xF7A  }
0x23: {  	s9 =	sor.u32 $0xD0000000, s2;
	s6 =	simm.s32 $0x108;
	_ =	swait.ge @!p0 [sflag:s8], $0x0  }
0x24: {  	s3 =	sadd.s32 $0x88, s3;
	s6 =	simm.s32 @!p1 $0x1082;
	[sflag:s4] =	ssyncset.s32 $0xFFFFF086  }
0x25: {  	[simem:s6], [sflag:s4] =	dma.local [hbm:s3], $0xF7A  }
0x26: {  	[smem:$0x3F92] =	sst s1;
	(tag) =	ssettag s2;
	_ =	strace s9  }
0x27: {  	s1 =	sld [smem:$0x3FA2]  }
0x28: {  	s2 =	sld [smem:$0x3FA3]  }
0x29: {  	s4 =	sld [smem:$0x3FA5]  }
0x2a: {  	p0 =	seq.s32 s5, $0x0;
	s5 =	sld [smem:$0x3FA6]  }
0x2b: {  	s6 =	sld [smem:$0x3FA7]  }
0x2c: {  	s7 =	sld [smem:$0x3FA8]  }
0x2d: {  	s3 =	simm.s32 $0x108;
	s8 =	sld [smem:$0x3FA9]  }
0x2e: {  	s3 =	simm.s32 @!p0 $0x1082;
	s9 =	sld [smem:$0x3FAA]  }
0x2f: {  	lr =	sadd.s32 s0, s3;
	s0 =	sld [smem:$0x3FA1]  }
0x30: {  	s3 =	sld [smem:$0x3FA4]  }
0x31: {  	[smem:$0x3FAD] =	sst s10  }
0x32: {  	s10 =	sld [smem:$0x3FAB];
	_ =	sdelay $0x3  }
0x33: {  	p0 =	seq.s32 s10, $0x1;
	s10 =	sld [smem:$0x3FAD];
	_ =	sdelay $0x3  }
0x34: {  	[smem:$0x3FAD] =	sst s10  }
0x35: {  	s10 =	sld [smem:$0x3FAC];
	_ =	sdelay $0x3  }
0x36: {  	p1 =	seq.s32 s10, $0x1;
	s10 =	sld [smem:$0x3FAD];
	_ =	sdelay $0x3  }
0x37: {  	[smem:$0x3FAD] =	sst s10  }
0x38: {  	s10 =	sld [smem:$0x3FAE]  }
0x39: {  	_ = 	snop;
	(pc) =	sbr.ind lr, $3  }
0x3a: {  	_ = 	snop  }
0x3b: {  	_ = 	snop  }
0x3c: {  	p2 =	seq.s32 s10, $0x1;
	s10 =	sld [smem:$0x3FAD]  }
0x3d: {  	_ =	shalt  }
0x3e: {  	_ =	shalt  }
0x3f: {  	_ =	shalt  }
0x40: {  	_ =	shalt  }
0x41: {  	_ =	shalt  }
0x42: {  	_ =	shalt  }
0x43: {  	_ =	shalt  }
0x44: {  	_ =	shalt  }
0x45: {  	_ =	shalt  }
0x46: {  	_ =	shalt  }
0x47: {  	_ =	shalt  }
0x48: {  	_ =	shalt  }
0x49: {  	_ =	shalt  }
0x4a: {  	_ =	shalt  }
0x4b: {  	_ =	shalt  }
0x4c: {  	_ =	shalt  }
0x4d: {  	_ =	shalt  }
0x4e: {  	_ =	shalt  }
0x4f: {  	_ =	shalt  }
0x50: {  	_ =	shalt  }
0x51: {  	_ =	shalt  }
0x52: {  	_ =	shalt  }
0x53: {  	_ =	shalt  }
0x54: {  	_ =	shalt  }
0x55: {  	_ =	shalt  }
0x56: {  	_ =	shalt  }
0x57: {  	_ =	shalt  }
0x58: {  	_ =	shalt  }
0x59: {  	_ =	shalt  }
0x5a: {  	_ =	shalt  }
0x5b: {  	_ =	shalt  }
0x5c: {  	_ =	shalt  }
0x5d: {  	_ =	shalt  }
0x5e: {  	_ =	shalt  }
0x5f: {  	_ =	shalt  }
0x60: {  	_ =	shalt  }
0x61: {  	_ =	shalt  }
0x62: {  	_ =	shalt  }
0x63: {  	_ =	shalt  }
0x64: {  	_ =	shalt  }
0x65: {  	_ =	shalt  }
0x66: {  	_ =	shalt  }
0x67: {  	_ =	shalt  }
0x68: {  	_ =	shalt  }
0x69: {  	_ =	shalt  }
0x6a: {  	_ =	shalt  }
0x6b: {  	_ =	shalt  }
0x6c: {  	_ =	shalt  }
0x6d: {  	_ =	shalt  }
0x6e: {  	_ =	shalt  }
0x6f: {  	_ =	shalt  }
0x70: {  	_ =	shalt  }
0x71: {  	_ =	shalt  }
0x72: {  	_ =	shalt  }
0x73: {  	_ =	shalt  }
0x74: {  	_ =	shalt  }
0x75: {  	_ =	shalt  }
0x76: {  	_ =	shalt  }
0x77: {  	_ =	shalt  }
0x78: {  	_ =	shalt  }
0x79: {  	_ =	shalt  }
0x7a: {  	_ =	shalt  }
0x7b: {  	_ =	shalt  }
0x7c: {  	_ =	shalt  }
0x7d: {  	_ =	shalt  }
0x7e: {  	_ =	shalt  }
0x7f: {  	_ =	shalt  }
0x80: {  	_ =	shalt  }
0x81: {  	_ =	shalt  }
0x82: {  	_ =	shalt  }
0x83: {  	_ =	shalt  }
0x84: {  	_ =	shalt  }
0x85: {  	_ =	shalt  }
0x86: {  	_ =	shalt  }
0x87: {  	_ =	shalt  }
.Lfunc_end0:
.L_simem_size_0:
called_computation_lowered:
.L_overlay_start_0:
0x88: {  	s2 =	sld [smem:$0x3FD9]  }
0x89: {  	s3 =	sld [smem:$0x3FFE];
	_ =	sdelay $0x1  }
0x8a: {  	s1 =	srdreg.scid  }
0x8b: {  	s0 =	sand.u32 $0x1, s1  }
0x8c: {  	s17 =	sshll.u32 s0, $0xA;
	s2 =	sadd.s32 s3, s2  }
0x8d: {  	s2 =	sadd.s32 s2, s17  }
0x8e: {  	[smem:$0x3FB9] =	sst s2  }
0x8f: {  	_ = 	snop  }
0x90: {  	s2 =	sld [smem:$0x3FC9];
	(tm) =	ssettm $0x1  }
0x91: {  	s18 =	sld [smem:$0x3FFB];
	_ =	sdelay $0x3  }
0x92: {  	_ =	strace s18  }
0x93: {  	s3 =	sld [smem:$0x3FFC];
	_ =	sdelay $0x3  }
0x94: {  	_ =	strace s3  }
0x95: {  	s3 =	sld [smem:$0x3FFD];
	_ =	sdelay $0x3  }
0x96: {  	_ =	strace s3  }
0x97: {  	_ =	strace $0x8FFFFFFF  }
0x98: {  	s19 =	sld [smem:$0x3FDB];
	_ =	sdelay $0x1  }
0x99: {  	s4 =	simm.s32 $_scs_section_size  }
0x9a: {  	s5 =	simm.s32 $_size__tile_overlayer_lowered;
	s6 =	simm.s32 $_tile_overlayer_lowered  }
0x9b: {  	s22 =	simm.s32 $0x1BFF;
	s21 =	sshll.u32 s6, $0x1;
	s3 =	sadd.s32 s4, s19  }
0x9c: {  	s7 =	simm.s32 $0x0;
	s20 =	sshll.u32 s5, $0x1;
	s5 =	sadd.s32 s21, s3  }
0x9d: {  	[timem:s7], [sflag:s22] =	dma.local [hbm:s5], s20  }
0x9e: {  	_ =	swait.ge [sflag:s22], s20  }
0x9f: {  	s4 =	ssub.s32 $0x0, s20;
	[sflag:s22] =	ssyncset.done $0x0  }
0xa0: {  	[sflag:s22] =	ssyncadd.s32 s4;
	_ =	sdelay $0x1  }
0xa1: {  	s23 =	simm.s32 $0x1B8B  }
0xa2: {  	_ =	swait.ge [sflag:s23], $0x1  }
0xa3: {  	[sflag:s23] =	ssyncset.done $0x0  }
0xa4: {  	s25 =	simm.s32 $0x1B8E;
	s24 =	sld [smem:$0x3FFE];
	[sflag:s23] =	ssyncadd.s32 $0xFFFFFFFF  }
0xa5: {  	s26 =	simm.s32 $execute0_lowered;
	[smem:$0x3FD2] =	sst s25  }
0xa6: {  	s5 =	sshll.u32 s26, $0x1;
	_ =	strace $0x80000046;
	[dreg:$0x1] =	wrdreg $0xFFFFFFFF  }
0xa7: {  	s28 =	simm.s32 $_size_execute0_lowered;
	s3 =	sadd.s32 s3, s5;
	[dreg:$0x0] =	wrdreg $0x0  }
0xa8: {  	s5 =	sshll.u32 s28, $0x1;
	[dreg:$0x2] =	wrdreg s3  }
0xa9: {  	[dreg:$0x3] =	wrdreg s5  }
0xaa: {  	[dreg:$0x4] =	wrdreg $0xC0  }
0xab: {  	_ =	task [dreg:s7], $0x5FFFF  }
0xac: {  	[dreg:$0x1] =	wrdreg $0xFFFFFFFF  }
0xad: {  	[dreg:$0x0] =	wrdreg $0x60  }
0xae: {  	[dreg:$0x2] =	wrdreg s2  }
0xaf: {  	[dreg:$0x3] =	wrdreg s24  }
0xb0: {  	[dreg:$0x4] =	wrdreg $0xB4A00  }
0xb1: {  	[dreg:$0x5] =	wrdreg $0x9  }
0xb2: {  	_ =	task.clear_ibuf [dreg:s7], $0x6FFFF;
	_ =	strace $0x90000046  }
0xb3: {  	s29 =	simm.s32 $0x9;
	_ =	strace $0x80000048  }
0xb4: {  	_ =	swait.ge [sflag:s29], $0x1  }
0xb5: {  	[sflag:s29] =	ssyncadd.s32 $0xFFFFFFFF  }
0xb6: {  	_ =	strace $0x90000048  }
0xb7: {  	_ =	sfence  }
0xb8: {  	s30 =	sld [smem:$0x0];
	_ =	sdelay $0x2  }
0xb9: {  	s31 =	sshll.u32 s1, $0xD;
	s1 =	sshrl.u32 s1, $0x2  }
0xba: {  	s3 =	sand.u32 $0x4000, s31;
	s1 =	sadd.s32 s1, s30  }
0xbb: {  	s0 =	sor.u32 s3, s0;
	s1 =	sshll.u32 s1, $0x11  }
0xbc: {  	s0 =	sor.u32 s1, s0  }
0xbd: {  	s0 =	sadd.s32 $0x8F2B, s0  }
0xbe: {  	[sflag:s0] =	ssyncadd.remote.s32 $0x1  }
0xbf: {  	_ =	sfence.sel $0xFFFF  }
0xc0: {  	[dreg:$0x0] =	wrdreg $0xFFFFFFFF;
	(pc) =	sbr.abs _section_cstart, $3  }
0xc1: {  	[dreg:$0x1] =	wrdreg $0xFFFFFFFF  }
0xc2: {  	_ =	task.clear_ibuf [dreg:s7], $0x2FFFF;
	_ =	strace $0x9FFFFFFF  }
0xc3: {  	(tm) =	ssettm $0x7FFFFFFF  }
tec
execute0_lowered:
.L_overlay_start_1:
0x0: {  	(tag) =	ssettag $0x1  }
0x1: {  	s2 =	rddreg [dreg:$0x0]  }
0x2: {  	s0 =	srdreg.scid;
	s6 =	rddreg [dreg:$0x1]  }
0x3: {  	s3 =	rddreg [dreg:$0x2];
	s4 =	simm.s32 $0x0;
	s14 =	simm.s32 $0x2  }
0x4: {  	s15 =	simm.s32 $0x2710;
	s16 =	simm.s32 $0x7620;
	s17 =	simm.s32 $0x50  }
0x5: {  	s18 =	simm.s32 $0x4E20;
	s5 =	sand.u32 $0x1, s0;
	s0 =	stileid.u32  }
0x6: {  	s19 =	simm.s32 $0x1;
	s22 =	simm.s32 $0x0;
	s8 =	smul.u32 $0x2710, s0  }
0x7: {  	[smem:$0x7FF] =	sst s4;
	s1 =	sshll.u32 s5, $0x4;
	s9 =	smul.u32 $0x27100, s5  }
0x8: {  	s10 =	smul.u32 $0x4E200, s0;
	s5 =	ssub.s32 $0x2, s5;
	s20 =	sshll.u32 s0, $0x6  }
0x9: {  	s1 =	sor.u32 s0, s1;
	s31 =	sshrl.u32 s5, $0x1;
	s20 =	sor.u32 $0x1C02, s20  }
0xa: {  	s7 =	smul.u32 $0x4E2, s1;
	s1 =	rddreg [dreg:$0x3];
	_ =	strace $0x80000047  }
0xb: {  	s8 =	sadd.s32 s8, s9;
	s10 =	sshrl.u32 s10, $0x2;
	s13 =	ssub.s32 s5, s31  }
0xc: {  	s12 =	sadd.s32 s8, s6;
	s5 =	sadd.s32 s10, s3;
	s13 =	smax.u32 s13, $0x1  }
0xd: {  	s7 =	sadd.s32 s7, s6;
	s8 =	sadd.s32 $0x3E80, s5;
	s9 =	sadd.s32 $0x7D00, s5  }
0xe: {  	s10 =	sadd.s32 $0xBB80, s5;
	s11 =	sadd.s32 $0xFA00, s5;
	s12 =	sadd.s32 $0x16A00, s12  }
0xf: {  	v0 =	vimm.f32 $0.0e+00;
	s21 =	sshrl.u32 s5, $0x3;
	s6 =	sadd.s32 $0xCC00, s7;
	s7 =	sadd.s32 $0x2E00, s7  }
.LBB2_1:
0x10: {  	[tilespmem:s4], [sflag:$0x2] =	stream.linear.gather [hbm4b:s6+s4], $0x2710, $0x38;
	[tilespmem:$0x1ED20] =	vst v63  }
0x11: {  	_ =	swait.ge [sflag:s14], $0x2710  }
0x12: {  	[sflag:s14] =	ssyncset.done $0x0  }
0x13: {  	[sflag:s14] =	ssyncadd.s32 $0xFFFFD8F0  }
0x14: {  	[tilespmem:s15], [sflag:$0x2] =	stream.linear.gather [hbm4b:s7+s4], $0x2710, $0x38;
	[tilespmem:$0x1ED20] =	vst v63  }
0x15: {  	_ =	swait.ge [sflag:s14], $0x2710  }
0x16: {  	[sflag:s14] =	ssyncset.done $0x0  }
0x17: {  	s23 =	simm.s32 $0x0;
	s24 =	simm.s32 $0x200;
	[sflag:s14] =	ssyncadd.s32 $0xFFFFD8F0  }
.LBB2_2:
0x18: {  	p0 =	sne.s32 s24, $0xF800;
	[tilespmem:s23+$0x7690] =	vst v0  }
0x19: {  	[tilespmem:s23+$0x7620] =	vst v0  }
0x1a: {  	[tilespmem:s23+$0x7630] =	vst v0  }
.Ltmp0:
0x1b: {  	[tilespmem:s23+$0x7640] =	vst v0;
	(pc) =	sbr.rel @p0 .LBB2_2-.Ltmp0, $4  }
0x1c: {  	[tilespmem:s23+$0x7650] =	vst v0  }
0x1d: {  	[tilespmem:s23+$0x7660] =	vst v0  }
0x1e: {  	[tilespmem:s23+$0x7670] =	vst v0  }
0x1f: {  	[tilespmem:s23+$0x7680] =	vst v0;
	s23 =	sshra.s32 s24, $0x2;
	s24 =	sadd.s32 $0x200, s24  }
0x20: {  	[tilespmem:s23+$0x7690] =	vst v0  }
0x21: {  	[tilespmem:s23+$0x7620] =	vst v0  }
0x22: {  	[tilespmem:s23+$0x7630] =	vst v0  }
0x23: {  	[tilespmem:s23+$0x7640] =	vst v0  }
0x24: {  	[tilespmem:s23+$0x7650] =	vst v0  }
0x25: {  	[tilespmem:s23+$0x7660] =	vst v0  }
0x26: {  	[tilespmem:s23+$0x7670] =	vst v0  }
0x27: {  	[tilespmem:s23+$0x7680] =	vst v0  }
0x28: {  	[spmem:s5] =	stream.linear.scatter [tilespmem:s16], [sflag:$0x2], $0x3E80, $0x38;
	[tilespmem:$0x1ED20] =	vst v63  }
0x29: {  	_ =	swait.ge [sflag:s14], $0x3E80  }
0x2a: {  	[sflag:s14] =	ssyncset.done $0x0  }
0x2b: {  	[sflag:s14] =	ssyncadd.s32 $0xFFFFC180  }
0x2c: {  	[spmem:s8] =	stream.linear.scatter [tilespmem:s16], [sflag:$0x2], $0x3E80, $0x38;
	[tilespmem:$0x1ED20] =	vst v63  }
0x2d: {  	_ =	swait.ge [sflag:s14], $0x3E80  }
0x2e: {  	[sflag:s14] =	ssyncset.done $0x0  }
0x2f: {  	[sflag:s14] =	ssyncadd.s32 $0xFFFFC180  }
0x30: {  	[spmem:s9] =	stream.linear.scatter [tilespmem:s16], [sflag:$0x2], $0x3E80, $0x38;
	[tilespmem:$0x1ED20] =	vst v63  }
0x31: {  	_ =	swait.ge [sflag:s14], $0x3E80  }
0x32: {  	[sflag:s14] =	ssyncset.done $0x0  }
0x33: {  	[sflag:s14] =	ssyncadd.s32 $0xFFFFC180  }
0x34: {  	[spmem:s10] =	stream.linear.scatter [tilespmem:s16], [sflag:$0x2], $0x3E80, $0x38;
	[tilespmem:$0x1ED20] =	vst v63  }
0x35: {  	_ =	swait.ge [sflag:s14], $0x3E80  }
0x36: {  	[sflag:s14] =	ssyncset.done $0x0  }
0x37: {  	[sflag:s14] =	ssyncadd.s32 $0xFFFFC180  }
0x38: {  	[spmem:s11] =	stream.linear.scatter [tilespmem:s16], [sflag:$0x2], $0x3E80, $0x38;
	[tilespmem:$0x1ED20] =	vst v63  }
0x39: {  	_ =	swait.ge [sflag:s14], $0x3E80  }
0x3a: {  	[sflag:s14] =	ssyncset.done $0x0  }
0x3b: {  	[sflag:s14] =	ssyncadd.s32 $0xFFFFC180  }
0x3c: {  	s30 =	simm.s32 $0x0;
	[bflag:$0x0] =	sbarrier.arrive $0xFFFF  }
0x3d: {  	[tilespmem:s18], [sflag:$0x1] =	stream.indirect.gather [hbm4b:s2+s17], $0x80, s30, s17, $0xb8;
	[tilespmem:$0x1ED20] =	vst v63  }
0x3e: {  	_ =	swait.ge [sflag:s19], $0x2800  }
0x3f: {  	[sflag:s19] =	ssyncset.done $0x0  }
0x40: {  	s31 =	simm.s32 $0x2710;
	[sflag:s19] =	ssyncadd.s32 $0xFFFFD800  }
0x41: {  	[spmem:s3] =	stream.indirect.scatter.add.f32 [tilespmem:s18], [sflag:$0x2], $0x80, s31, s17, $0xb8;
	[tilespmem:$0x1ED20] =	vst v63  }
0x42: {  	_ =	swait.ge [sflag:s14], $0x2800  }
0x43: {  	s23 =	simm.s32 $0x140;
	s24 =	simm.s32 $0x280;
	[sflag:s14] =	ssyncset.done $0x0  }
.LBB2_4:
0x44: {  	s25 =	sshra.s32 s23, $0x2  }
0x45: {  	[sflag:s14] =	ssyncadd.s32 $0xFFFFD800;
	s23 =	smov.u32 s24;
	s26 =	sadd.s32 $0x140, s24  }
0x46: {  	[tilespmem:s18], [sflag:$0x1] =	stream.indirect.gather [hbm4b:s2+s17], $0x80, s25, s17, $0xb8;
	[tilespmem:$0x1ED20] =	vst v63  }
0x47: {  	p0 =	sne.s32 s24, $0x9B00;
	_ =	swait.ge [sflag:s19], $0x2800  }
.Ltmp1:
0x48: {  	[sflag:s19] =	ssyncset.done $0x0;
	(pc) =	sbr.rel @p0 .LBB2_4-.Ltmp1, $4  }
0x49: {  	s24 =	sadd.s32 $0x2710, s25;
	[sflag:s19] =	ssyncadd.s32 $0xFFFFD800  }
0x4a: {  	[spmem:s3] =	stream.indirect.scatter.add.f32 [tilespmem:s18], [sflag:$0x2], $0x80, s24, s17, $0xb8;
	[tilespmem:$0x1ED20] =	vst v63  }
0x4b: {  	_ =	swait.ge [sflag:s14], $0x2800  }
0x4c: {  	s24 =	smov.u32 s26;
	[sflag:s14] =	ssyncset.done $0x0  }
0x4d: {  	s23 =	sshra.s32 s23, $0x2;
	[sflag:s14] =	ssyncadd.s32 $0xFFFFD800  }
0x4e: {  	[tilespmem:s18], [sflag:$0x1] =	stream.indirect.gather [hbm4b:s2+s17], $0x80, s23, s17, $0xb8;
	[tilespmem:$0x1ED20] =	vst v63  }
0x4f: {  	_ =	swait.ge [sflag:s19], $0x2800  }
0x50: {  	[sflag:s19] =	ssyncset.done $0x0  }
0x51: {  	s23 =	sadd.s32 $0x2710, s23;
	[sflag:s19] =	ssyncadd.s32 $0xFFFFD800  }
0x52: {  	[spmem:s3] =	stream.indirect.scatter.add.f32 [tilespmem:s18], [sflag:$0x2], $0x80, s23, s17, $0xb8;
	[tilespmem:$0x1ED20] =	vst v63  }
0x53: {  	_ =	swait.ge [sflag:s14], $0x2800  }
0x54: {  	s22 =	sadd.s32 $0x1, s22;
	[sflag:s14] =	ssyncset.done $0x0  }
0x55: {  	p0 =	sne.s32 s22, s13;
	[sflag:s14] =	ssyncadd.s32 $0xFFFFD800  }
.Ltmp2:
0x56: {  	[bflag:$0x0] =	sbarrier.arrive $0xFFFF;
	(pc) =	sbr.rel @p0 .LBB2_1-.Ltmp2, $4  }
0x57: {  	[hbm:s12], [sflag:s20] =	dma.local [spmem:s21], $0x2710  }
0x58: {  	_ =	swait.ge [sflag:s14], $0x2710  }
0x59: {  	[sflag:s14] =	ssyncset.done $0x0  }
0x5a: {  	[sflag:s14] =	ssyncadd.s32 $0xFFFFD8F0  }
0x5b: {  	_ =	sfence.sel $0x180000  }
0x5c: {  	[bflag:$0x0] =	sbarrier.arrive $0xFFFF  }
0x5d: {  	p0 =	sne.s32 s0, $0x0;
	_ =	strace $0x90000047  }
0x5e: {  	s0 =	sadd.s32 @!p0 $0x100000, s1;
	[bflag:$0x2] =	sbarrier.arrive $0xFFFF  }
0x5f: {  	[sflag:s0] =	ssyncadd.tile.s32 @!p0 $0x1;
	_ =	shalt  }
.Lfunc_end2:
_tile_overlayer_lowered:
.L_overlay_start_2:
0x60: {  	(tag) =	ssettag $0x2  }
0x61: {  	s0 =	rddreg [dreg:$0x0];
	s2 =	stileid.u32  }
0x62: {  	s1 =	rddreg [dreg:$0x1];
	p0 =	sne.s32 s2, $0x0  }
0x63: {  	s3 =	rddreg [dreg:$0x2];
	[bflag:$0x3] =	sbarrier.arrive $0xFFFF;
	s2 =	simm.s32 @!p0 $0x1C02  }
0x64: {  	[timem:s3], [sflag:s2] =	dma.local @!p0 [hbm:s0], s1  }
0x65: {  	s0 =	simm.s32 @!p0 $0x2  }
0x66: {  	_ =	swait.ge @!p0 [sflag:s0], s1  }
0x67: {  	s1 =	ssub.s32 @!p0 $0x0, s1;
	[sflag:s0] =	ssyncset.done @!p0 $0x0  }
0x68: {  	[sflag:s0] =	ssyncadd.s32 @!p0 s1  }
0x69: {  	[bflag:$0x3] =	sbarrier.arrive $0xFFFF  }
0x6a: {  	_ =	shalt  }

// kernel: kernel.9.cloned.1.call-start
scs
__scs_entry_jumppad:
0x0: {  	(pc) =	sbr.rel $0x88, $3  }
0x1: {  	(tag) =	ssettag $0x0;
	lr =	simm.s32 $0x1  }
0x2: {  	[smem:$0x3F92] =	sst lr;
	_ =	strace $0xD0000000  }
0x3: {  	_ = 	snop  }
0x4: {  	_ = 	snop  }
0x5: {  	_ = 	snop  }
0x6: {  	_ = 	snop  }
0x7: {  	_ = 	snop  }
__scs_overlays_trampoline_lowered:
0x8: {  	[smem:$0x3FA1] =	sst s0  }
0x9: {  	[smem:$0x3FA2] =	sst s1  }
0xa: {  	[smem:$0x3FA3] =	sst s2  }
0xb: {  	[smem:$0x3FA4] =	sst s3  }
0xc: {  	[smem:$0x3FA5] =	sst s4  }
0xd: {  	[smem:$0x3FA6] =	sst s5  }
0xe: {  	[smem:$0x3FA7] =	sst s6  }
0xf: {  	[smem:$0x3FA8] =	sst s7  }
0x10: {  	[smem:$0x3FA9] =	sst s8  }
0x11: {  	[smem:$0x3FAA] =	sst s9;
	s0 =	simm.s32 @!p0 $0x0  }
0x12: {  	s1 =	sld [smem:$0x3F90];
	s0 =	simm.s32 @p0 $0x1  }
0x13: {  	[smem:$0x3FAB] =	sst s0;
	s0 =	simm.s32 @!p1 $0x0  }
0x14: {  	s2 =	sld [smem:$0x3F8F];
	s0 =	simm.s32 @p1 $0x1  }
0x15: {  	[smem:$0x3FAC] =	sst s0;
	s0 =	simm.s32 @!p2 $0x0  }
0x16: {  	s3 =	sld [smem:$0x3FDB];
	s0 =	simm.s32 @p2 $0x1  }
0x17: {  	s4 =	simm.s32 $0x1BF5;
	[smem:$0x3FAE] =	sst s0  }
0x18: {  	s0 =	sld [smem:$0x3F91];
	_ =	swait.ge [sflag:s4], $0x0  }
0x19: {  	s7 =	sld [smem:$0x3F92]  }
0x1a: {  	s8 =	sadd.s32 $0xFFFFE003, lr  }
0x1b: {  	s9 =	sadd.s32 $0xFFFFFEF7, lr;
	s5 =	simm.s32 $0xFFFFFFFF;
	p2 =	slt.u32 s8, $0xFFFFF086  }
0x1c: {  	p1 =	slt.u32 s9, $0xF7A;
	s5 =	simm.s32 @!p2 $0x0  }
0x1d: {  	s5 =	simm.s32 @p1 $0x1;
	p0 =	seq.s32 s7, s2  }
0x1e: {  	s7 =	smul.u32 @!p0 $0xF7A, s2;
	p2 =	seq.s32 @!p0 s5, $0x0  }
0x1f: {  	s9 =	smul.u32 $0xF7A, s1;
	s8 =	simm.s32 @!p0 $0x1BF5;
	p2 =	por !p2, p0  }
0x20: {  	[sflag:s8] =	ssyncset.s32 @!p0 $0xFFFFF086;
	s6 =	sadd.s32 @!p0 s3, s7;
	s7 =	simm.s32 @!p0 $0x108  }
0x21: {  	s3 =	sadd.s32 s3, s9;
	s6 =	sadd.s32 @!p0 $0x88, s6;
	s7 =	simm.s32 @p2 $0x1082  }
0x22: {  	[simem:s7], [sflag:s8] =	dma.local @!p0 [hbm:s6], $0xF7A  }
0x23: {  	s9 =	sor.u32 $0xD0000000, s2;
	s6 =	simm.s32 $0x108;
	_ =	swait.ge @!p0 [sflag:s8], $0x0  }
0x24: {  	s3 =	sadd.s32 $0x88, s3;
	s6 =	simm.s32 @!p1 $0x1082;
	[sflag:s4] =	ssyncset.s32 $0xFFFFF086  }
0x25: {  	[simem:s6], [sflag:s4] =	dma.local [hbm:s3], $0xF7A  }
0x26: {  	[smem:$0x3F92] =	sst s1;
	(tag) =	ssettag s2;
	_ =	strace s9  }
0x27: {  	s1 =	sld [smem:$0x3FA2]  }
0x28: {  	s2 =	sld [smem:$0x3FA3]  }
0x29: {  	s4 =	sld [smem:$0x3FA5]  }
0x2a: {  	p0 =	seq.s32 s5, $0x0;
	s5 =	sld [smem:$0x3FA6]  }
0x2b: {  	s6 =	sld [smem:$0x3FA7]  }
0x2c: {  	s7 =	sld [smem:$0x3FA8]  }
0x2d: {  	s3 =	simm.s32 $0x108;
	s8 =	sld [smem:$0x3FA9]  }
0x2e: {  	s3 =	simm.s32 @!p0 $0x1082;
	s9 =	sld [smem:$0x3FAA]  }
0x2f: {  	lr =	sadd.s32 s0, s3;
	s0 =	sld [smem:$0x3FA1]  }
0x30: {  	s3 =	sld [smem:$0x3FA4]  }
0x31: {  	[smem:$0x3FAD] =	sst s10  }
0x32: {  	s10 =	sld [smem:$0x3FAB];
	_ =	sdelay $0x3  }
0x33: {  	p0 =	seq.s32 s10, $0x1;
	s10 =	sld [smem:$0x3FAD];
	_ =	sdelay $0x3  }
0x34: {  	[smem:$0x3FAD] =	sst s10  }
0x35: {  	s10 =	sld [smem:$0x3FAC];
	_ =	sdelay $0x3  }
0x36: {  	p1 =	seq.s32 s10, $0x1;
	s10 =	sld [smem:$0x3FAD];
	_ =	sdelay $0x3  }
0x37: {  	[smem:$0x3FAD] =	sst s10  }
0x38: {  	s10 =	sld [smem:$0x3FAE]  }
0x39: {  	_ = 	snop;
	(pc) =	sbr.ind lr, $3  }
0x3a: {  	_ = 	snop  }
0x3b: {  	_ = 	snop  }
0x3c: {  	p2 =	seq.s32 s10, $0x1;
	s10 =	sld [smem:$0x3FAD]  }
0x3d: {  	_ =	shalt  }
0x3e: {  	_ =	shalt  }
0x3f: {  	_ =	shalt  }
0x40: {  	_ =	shalt  }
0x41: {  	_ =	shalt  }
0x42: {  	_ =	shalt  }
0x43: {  	_ =	shalt  }
0x44: {  	_ =	shalt  }
0x45: {  	_ =	shalt  }
0x46: {  	_ =	shalt  }
0x47: {  	_ =	shalt  }
0x48: {  	_ =	shalt  }
0x49: {  	_ =	shalt  }
0x4a: {  	_ =	shalt  }
0x4b: {  	_ =	shalt  }
0x4c: {  	_ =	shalt  }
0x4d: {  	_ =	shalt  }
0x4e: {  	_ =	shalt  }
0x4f: {  	_ =	shalt  }
0x50: {  	_ =	shalt  }
0x51: {  	_ =	shalt  }
0x52: {  	_ =	shalt  }
0x53: {  	_ =	shalt  }
0x54: {  	_ =	shalt  }
0x55: {  	_ =	shalt  }
0x56: {  	_ =	shalt  }
0x57: {  	_ =	shalt  }
0x58: {  	_ =	shalt  }
0x59: {  	_ =	shalt  }
0x5a: {  	_ =	shalt  }
0x5b: {  	_ =	shalt  }
0x5c: {  	_ =	shalt  }
0x5d: {  	_ =	shalt  }
0x5e: {  	_ =	shalt  }
0x5f: {  	_ =	shalt  }
0x60: {  	_ =	shalt  }
0x61: {  	_ =	shalt  }
0x62: {  	_ =	shalt  }
0x63: {  	_ =	shalt  }
0x64: {  	_ =	shalt  }
0x65: {  	_ =	shalt  }
0x66: {  	_ =	shalt  }
0x67: {  	_ =	shalt  }
0x68: {  	_ =	shalt  }
0x69: {  	_ =	shalt  }
0x6a: {  	_ =	shalt  }
0x6b: {  	_ =	shalt  }
0x6c: {  	_ =	shalt  }
0x6d: {  	_ =	shalt  }
0x6e: {  	_ =	shalt  }
0x6f: {  	_ =	shalt  }
0x70: {  	_ =	shalt  }
0x71: {  	_ =	shalt  }
0x72: {  	_ =	shalt  }
0x73: {  	_ =	shalt  }
0x74: {  	_ =	shalt  }
0x75: {  	_ =	shalt  }
0x76: {  	_ =	shalt  }
0x77: {  	_ =	shalt  }
0x78: {  	_ =	shalt  }
0x79: {  	_ =	shalt  }
0x7a: {  	_ =	shalt  }
0x7b: {  	_ =	shalt  }
0x7c: {  	_ =	shalt  }
0x7d: {  	_ =	shalt  }
0x7e: {  	_ =	shalt  }
0x7f: {  	_ =	shalt  }
0x80: {  	_ =	shalt  }
0x81: {  	_ =	shalt  }
0x82: {  	_ =	shalt  }
0x83: {  	_ =	shalt  }
0x84: {  	_ =	shalt  }
0x85: {  	_ =	shalt  }
0x86: {  	_ =	shalt  }
0x87: {  	_ =	shalt  }
.Lfunc_end0:
.L_simem_size_0:
called_computation.1_lowered:
.L_overlay_start_0:
0x88: {  	s2 =	sld [smem:$0x3FD9]  }
0x89: {  	s3 =	sld [smem:$0x3FFE];
	_ =	sdelay $0x1  }
0x8a: {  	s1 =	srdreg.scid  }
0x8b: {  	s0 =	sand.u32 $0x1, s1  }
0x8c: {  	s16 =	sshll.u32 s0, $0xA;
	s2 =	sadd.s32 s3, s2  }
0x8d: {  	s2 =	sadd.s32 s2, s16  }
0x8e: {  	[smem:$0x3FB9] =	sst s2  }
0x8f: {  	_ = 	snop  }
0x90: {  	(tm) =	ssettm $0x1  }
0x91: {  	s17 =	sld [smem:$0x3FFB];
	_ =	sdelay $0x3  }
0x92: {  	_ =	strace s17  }
0x93: {  	s2 =	sld [smem:$0x3FFC];
	_ =	sdelay $0x3  }
0x94: {  	_ =	strace s2  }
0x95: {  	s2 =	sld [smem:$0x3FFD];
	_ =	sdelay $0x3  }
0x96: {  	_ =	strace s2  }
0x97: {  	_ =	strace $0x8FFFFFFF  }
0x98: {  	s18 =	sld [smem:$0x3FDB];
	_ =	sdelay $0x1  }
0x99: {  	s19 =	simm.s32 $_scs_section_size  }
0x9a: {  	s4 =	simm.s32 $_size__tile_overlayer_lowered;
	s5 =	simm.s32 $_tile_overlayer_lowered  }
0x9b: {  	s22 =	simm.s32 $0x1BFF;
	s21 =	sshll.u32 s5, $0x1;
	s2 =	sadd.s32 s19, s18  }
0x9c: {  	s6 =	simm.s32 $0x0;
	s20 =	sshll.u32 s4, $0x1;
	s4 =	sadd.s32 s21, s2  }
0x9d: {  	[timem:s6], [sflag:s22] =	dma.local [hbm:s4], s20  }
0x9e: {  	_ =	swait.ge [sflag:s22], s20  }
0x9f: {  	s3 =	ssub.s32 $0x0, s20;
	[sflag:s22] =	ssyncset.done $0x0  }
0xa0: {  	[sflag:s22] =	ssyncadd.s32 s3;
	_ =	sdelay $0x1  }
0xa1: {  	s23 =	simm.s32 $0x1B8B  }
0xa2: {  	_ =	swait.ge [sflag:s23], $0x1  }
0xa3: {  	[sflag:s23] =	ssyncset.done $0x0  }
0xa4: {  	s25 =	simm.s32 $0x1B8E;
	s24 =	sld [smem:$0x3FFE];
	[sflag:s23] =	ssyncadd.s32 $0xFFFFFFFF  }
0xa5: {  	s26 =	simm.s32 $execute0_lowered;
	[smem:$0x3FD2] =	sst s25  }
0xa6: {  	s4 =	sshll.u32 s26, $0x1;
	_ =	strace $0x80000049;
	[dreg:$0x1] =	wrdreg $0xFFFFFFFF  }
0xa7: {  	s28 =	simm.s32 $_size_execute0_lowered;
	s2 =	sadd.s32 s2, s4;
	[dreg:$0x0] =	wrdreg $0x0  }
0xa8: {  	s4 =	sshll.u32 s28, $0x1;
	[dreg:$0x2] =	wrdreg s2  }
0xa9: {  	[dreg:$0x3] =	wrdreg s4  }
0xaa: {  	[dreg:$0x4] =	wrdreg $0xC0  }
0xab: {  	_ =	task [dreg:s6], $0x5FFFF  }
0xac: {  	[dreg:$0x1] =	wrdreg $0xFFFFFFFF  }
0xad: {  	[dreg:$0x0] =	wrdreg $0x60  }
0xae: {  	[dreg:$0x2] =	wrdreg s24  }
0xaf: {  	[dreg:$0x3] =	wrdreg $0xB4A00  }
0xb0: {  	[dreg:$0x4] =	wrdreg $0x9  }
0xb1: {  	_ =	task.clear_ibuf [dreg:s6], $0x5FFFF;
	_ =	strace $0x90000049  }
0xb2: {  	s29 =	simm.s32 $0x9;
	_ =	strace $0x8000004B  }
0xb3: {  	_ =	swait.ge [sflag:s29], $0x1  }
0xb4: {  	[sflag:s29] =	ssyncadd.s32 $0xFFFFFFFF  }
0xb5: {  	_ =	strace $0x9000004B  }
0xb6: {  	_ =	sfence  }
0xb7: {  	s30 =	sld [smem:$0x0];
	_ =	sdelay $0x2  }
0xb8: {  	s31 =	sshll.u32 s1, $0xD;
	s1 =	sshrl.u32 s1, $0x2  }
0xb9: {  	s3 =	sand.u32 $0x4000, s31;
	s1 =	sadd.s32 s1, s30  }
0xba: {  	s0 =	sor.u32 s3, s0;
	s1 =	sshll.u32 s1, $0x11  }
0xbb: {  	s0 =	sor.u32 s1, s0  }
0xbc: {  	s0 =	sadd.s32 $0x8F2B, s0  }
0xbd: {  	[sflag:s0] =	ssyncadd.remote.s32 $0x1  }
0xbe: {  	_ =	sfence.sel $0xFFFF  }
0xbf: {  	[dreg:$0x0] =	wrdreg $0xFFFFFFFF;
	(pc) =	sbr.abs _section_cstart, $3  }
0xc0: {  	[dreg:$0x1] =	wrdreg $0xFFFFFFFF  }
0xc1: {  	_ =	task.clear_ibuf [dreg:s6], $0x2FFFF;
	_ =	strace $0x9FFFFFFF  }
0xc2: {  	(tm) =	ssettm $0x7FFFFFFF  }
0xc3: {  	_ =	shalt  }
tec
execute0_lowered:
.L_overlay_start_1:
0x0: {  	(tag) =	ssettag $0x1  }
0x1: {  	s6 =	rddreg [dreg:$0x0]  }
0x2: {  	s0 =	srdreg.scid;
	s2 =	rddreg [dreg:$0x1]  }
0x3: {  	s3 =	simm.s32 $0x0;
	s14 =	simm.s32 $0x2;
	s15 =	simm.s32 $0x2710  }
0x4: {  	s16 =	simm.s32 $0x7620;
	s17 =	simm.s32 $0x50;
	s18 =	simm.s32 $0x4E20  }
0x5: {  	s19 =	simm.s32 $0x1;
	s5 =	sand.u32 $0x1, s0;
	s0 =	stileid.u32  }
0x6: {  	s22 =	simm.s32 $0x0;
	[smem:$0x7FF] =	sst s3;
	s8 =	smul.u32 $0x2710, s0  }
0x7: {  	s4 =	sadd.s32 $0x16A00, s6;
	s1 =	sshll.u32 s5, $0x4;
	s9 =	smul.u32 $0x27100, s5  }
0x8: {  	s10 =	smul.u32 $0x4E200, s0;
	s5 =	ssub.s32 $0x2, s5;
	s20 =	sshll.u32 s0, $0x6  }
0x9: {  	s1 =	sor.u32 s0, s1;
	s31 =	sshrl.u32 s5, $0x1;
	s20 =	sor.u32 $0x1C02, s20  }
0xa: {  	s7 =	smul.u32 $0x4E2, s1;
	s1 =	rddreg [dreg:$0x2];
	_ =	strace $0x8000004A  }
0xb: {  	s8 =	sadd.s32 s8, s9;
	s10 =	sshrl.u32 s10, $0x2;
	s13 =	ssub.s32 s5, s31  }
0xc: {  	s12 =	sadd.s32 s8, s6;
	s5 =	sadd.s32 s10, s2;
	s13 =	smax.u32 s13, $0x1  }
0xd: {  	s7 =	sadd.s32 s7, s6;
	s8 =	sadd.s32 $0x3E80, s5;
	s9 =	sadd.s32 $0x7D00, s5  }
0xe: {  	s10 =	sadd.s32 $0xBB80, s5;
	s11 =	sadd.s32 $0xFA00, s5;
	s12 =	sadd.s32 $0x3DC00, s12  }
0xf: {  	v0 =	vimm.f32 $0.0e+00;
	s21 =	sshrl.u32 s5, $0x3;
	s6 =	sadd.s32 $0xCC00, s7;
	s7 =	sadd.s32 $0x2E00, s7  }
.LBB2_1:
0x10: {  	[tilespmem:s3], [sflag:$0x2] =	stream.linear.gather [hbm4b:s6+s3], $0x2710, $0x38;
	[tilespmem:$0x1ED20] =	vst v63  }
0x11: {  	_ =	swait.ge [sflag:s14], $0x2710  }
0x12: {  	[sflag:s14] =	ssyncset.done $0x0  }
0x13: {  	[sflag:s14] =	ssyncadd.s32 $0xFFFFD8F0  }
0x14: {  	[tilespmem:s15], [sflag:$0x2] =	stream.linear.gather [hbm4b:s7+s3], $0x2710, $0x38;
	[tilespmem:$0x1ED20] =	vst v63  }
0x15: {  	_ =	swait.ge [sflag:s14], $0x2710  }
0x16: {  	[sflag:s14] =	ssyncset.done $0x0  }
0x17: {  	s23 =	simm.s32 $0x0;
	s24 =	simm.s32 $0x200;
	[sflag:s14] =	ssyncadd.s32 $0xFFFFD8F0  }
.LBB2_2:
0x18: {  	p0 =	sne.s32 s24, $0xF800;
	[tilespmem:s23+$0x7690] =	vst v0  }
0x19: {  	[tilespmem:s23+$0x7620] =	vst v0  }
0x1a: {  	[tilespmem:s23+$0x7630] =	vst v0  }
.Ltmp0:
0x1b: {  	[tilespmem:s23+$0x7640] =	vst v0;
	(pc) =	sbr.rel @p0 .LBB2_2-.Ltmp0, $4  }
0x1c: {  	[tilespmem:s23+$0x7650] =	vst v0  }
0x1d: {  	[tilespmem:s23+$0x7660] =	vst v0  }
0x1e: {  	[tilespmem:s23+$0x7670] =	vst v0  }
0x1f: {  	[tilespmem:s23+$0x7680] =	vst v0;
	s23 =	sshra.s32 s24, $0x2;
	s24 =	sadd.s32 $0x200, s24  }
0x20: {  	[tilespmem:s23+$0x7690] =	vst v0  }
0x21: {  	[tilespmem:s23+$0x7620] =	vst v0  }
0x22: {  	[tilespmem:s23+$0x7630] =	vst v0  }
0x23: {  	[tilespmem:s23+$0x7640] =	vst v0  }
0x24: {  	[tilespmem:s23+$0x7650] =	vst v0  }
0x25: {  	[tilespmem:s23+$0x7660] =	vst v0  }
0x26: {  	[tilespmem:s23+$0x7670] =	vst v0  }
0x27: {  	[tilespmem:s23+$0x7680] =	vst v0  }
0x28: {  	[spmem:s5] =	stream.linear.scatter [tilespmem:s16], [sflag:$0x2], $0x3E80, $0x38;
	[tilespmem:$0x1ED20] =	vst v63  }
0x29: {  	_ =	swait.ge [sflag:s14], $0x3E80  }
0x2a: {  	[sflag:s14] =	ssyncset.done $0x0  }
0x2b: {  	[sflag:s14] =	ssyncadd.s32 $0xFFFFC180  }
0x2c: {  	[spmem:s8] =	stream.linear.scatter [tilespmem:s16], [sflag:$0x2], $0x3E80, $0x38;
	[tilespmem:$0x1ED20] =	vst v63  }
0x2d: {  	_ =	swait.ge [sflag:s14], $0x3E80  }
0x2e: {  	[sflag:s14] =	ssyncset.done $0x0  }
0x2f: {  	[sflag:s14] =	ssyncadd.s32 $0xFFFFC180  }
0x30: {  	[spmem:s9] =	stream.linear.scatter [tilespmem:s16], [sflag:$0x2], $0x3E80, $0x38;
	[tilespmem:$0x1ED20] =	vst v63  }
0x31: {  	_ =	swait.ge [sflag:s14], $0x3E80  }
0x32: {  	[sflag:s14] =	ssyncset.done $0x0  }
0x33: {  	[sflag:s14] =	ssyncadd.s32 $0xFFFFC180  }
0x34: {  	[spmem:s10] =	stream.linear.scatter [tilespmem:s16], [sflag:$0x2], $0x3E80, $0x38;
	[tilespmem:$0x1ED20] =	vst v63  }
0x35: {  	_ =	swait.ge [sflag:s14], $0x3E80  }
0x36: {  	[sflag:s14] =	ssyncset.done $0x0  }
0x37: {  	[sflag:s14] =	ssyncadd.s32 $0xFFFFC180  }
0x38: {  	[spmem:s11] =	stream.linear.scatter [tilespmem:s16], [sflag:$0x2], $0x3E80, $0x38;
	[tilespmem:$0x1ED20] =	vst v63  }
0x39: {  	_ =	swait.ge [sflag:s14], $0x3E80  }
0x3a: {  	[sflag:s14] =	ssyncset.done $0x0  }
0x3b: {  	[sflag:s14] =	ssyncadd.s32 $0xFFFFC180  }
0x3c: {  	s30 =	simm.s32 $0x0;
	[bflag:$0x0] =	sbarrier.arrive $0xFFFF  }
0x3d: {  	[tilespmem:s18], [sflag:$0x1] =	stream.indirect.gather [hbm4b:s4+s17], $0x80, s30, s17, $0xb8;
	[tilespmem:$0x1ED20] =	vst v63  }
0x3e: {  	_ =	swait.ge [sflag:s19], $0x2800  }
0x3f: {  	[sflag:s19] =	ssyncset.done $0x0  }
0x40: {  	s31 =	simm.s32 $0x2710;
	[sflag:s19] =	ssyncadd.s32 $0xFFFFD800  }
0x41: {  	[spmem:s2] =	stream.indirect.scatter.add.f32 [tilespmem:s18], [sflag:$0x2], $0x80, s31, s17, $0xb8;
	[tilespmem:$0x1ED20] =	vst v63  }
0x42: {  	_ =	swait.ge [sflag:s14], $0x2800  }
0x43: {  	s23 =	simm.s32 $0x140;
	s24 =	simm.s32 $0x280;
	[sflag:s14] =	ssyncset.done $0x0  }
.LBB2_4:
0x44: {  	s25 =	sshra.s32 s23, $0x2  }
0x45: {  	[sflag:s14] =	ssyncadd.s32 $0xFFFFD800;
	s23 =	smov.u32 s24;
	s26 =	sadd.s32 $0x140, s24  }
0x46: {  	[tilespmem:s18], [sflag:$0x1] =	stream.indirect.gather [hbm4b:s4+s17], $0x80, s25, s17, $0xb8;
	[tilespmem:$0x1ED20] =	vst v63  }
0x47: {  	p0 =	sne.s32 s24, $0x9B00;
	_ =	swait.ge [sflag:s19], $0x2800  }
.Ltmp1:
0x48: {  	[sflag:s19] =	ssyncset.done $0x0;
	(pc) =	sbr.rel @p0 .LBB2_4-.Ltmp1, $4  }
0x49: {  	s24 =	sadd.s32 $0x2710, s25;
	[sflag:s19] =	ssyncadd.s32 $0xFFFFD800  }
0x4a: {  	[spmem:s2] =	stream.indirect.scatter.add.f32 [tilespmem:s18], [sflag:$0x2], $0x80, s24, s17, $0xb8;
	[tilespmem:$0x1ED20] =	vst v63  }
0x4b: {  	_ =	swait.ge [sflag:s14], $0x2800  }
0x4c: {  	s24 =	smov.u32 s26;
	[sflag:s14] =	ssyncset.done $0x0  }
0x4d: {  	s23 =	sshra.s32 s23, $0x2;
	[sflag:s14] =	ssyncadd.s32 $0xFFFFD800  }
0x4e: {  	[tilespmem:s18], [sflag:$0x1] =	stream.indirect.gather [hbm4b:s4+s17], $0x80, s23, s17, $0xb8;
	[tilespmem:$0x1ED20] =	vst v63  }
0x4f: {  	_ =	swait.ge [sflag:s19], $0x2800  }
0x50: {  	[sflag:s19] =	ssyncset.done $0x0  }
0x51: {  	s23 =	sadd.s32 $0x2710, s23;
	[sflag:s19] =	ssyncadd.s32 $0xFFFFD800  }
0x52: {  	[spmem:s2] =	stream.indirect.scatter.add.f32 [tilespmem:s18], [sflag:$0x2], $0x80, s23, s17, $0xb8;
	[tilespmem:$0x1ED20] =	vst v63  }
0x53: {  	_ =	swait.ge [sflag:s14], $0x2800  }
0x54: {  	s22 =	sadd.s32 $0x1, s22;
	[sflag:s14] =	ssyncset.done $0x0  }
0x55: {  	p0 =	sne.s32 s22, s13;
	[sflag:s14] =	ssyncadd.s32 $0xFFFFD800  }
.Ltmp2:
0x56: {  	[bflag:$0x0] =	sbarrier.arrive $0xFFFF;
	(pc) =	sbr.rel @p0 .LBB2_1-.Ltmp2, $4  }
0x57: {  	[hbm:s12], [sflag:s20] =	dma.local [spmem:s21], $0x2710  }
0x58: {  	_ =	swait.ge [sflag:s14], $0x2710  }
0x59: {  	[sflag:s14] =	ssyncset.done $0x0  }
0x5a: {  	[sflag:s14] =	ssyncadd.s32 $0xFFFFD8F0  }
0x5b: {  	_ =	sfence.sel $0x180000  }
0x5c: {  	[bflag:$0x0] =	sbarrier.arrive $0xFFFF  }
0x5d: {  	p0 =	sne.s32 s0, $0x0;
	_ =	strace $0x9000004A  }
0x5e: {  	s0 =	sadd.s32 @!p0 $0x100000, s1;
	[bflag:$0x2] =	sbarrier.arrive $0xFFFF  }
0x5f: {  	[sflag:s0] =	ssyncadd.tile.s32 @!p0 $0x1;
	_ =	shalt  }
.Lfunc_end2:
_tile_overlayer_lowered:
.L_overlay_start_2:
0x60: {  	(tag) =	ssettag $0x2  }
0x61: {  	s0 =	rddreg [dreg:$0x0];
	s2 =	stileid.u32  }
0x62: {  	s1 =	rddreg [dreg:$0x1];
	p0 =	sne.s32 s2, $0x0  }
0x63: {  	s3 =	rddreg [dreg:$0x2];
	[bflag:$0x3] =	sbarrier.arrive $0xFFFF;
	s2 =	simm.s32 @!p0 $0x1C02  }
0x64: {  	[timem:s3], [sflag:s2] =	dma.local @!p0 [hbm:s0], s1  }
0x65: {  	s0 =	simm.s32 @!p0 $0x2  }
0x66: {  	_ =	swait.ge @!p0 [sflag:s0], s1  }
0x67: {  	s1 =	ssub.s32 @!p0 $0x0, s1;
	[sflag:s0] =	ssyncset.done @!p0 $0x0  }
0x68: {  	[sflag:s0] =	ssyncadd.s32 @!p0 s1  }
0x69: {  	[bflag:$0x3] =	sbarrier.arrive $0xFFFF  }
0x6a: {  	_ =	shalt  }

</sc_bundles>
